<compile_context>
chip_gen: v7x
topology: tpu7x:2x2x1
jax: 0.10.2.dev20260603
libtpu: 0.0.44.dev20260713+nightly
codegen_flags: <defaults>
</compile_context>

<pallas_src>
import jax
import jax.numpy as jnp
from jax import lax
from jax.experimental import pallas as pl
from jax.experimental.pallas import tpu as pltpu
from jax.experimental.pallas import tpu_sc as plsc

D = 512
CAND = 128
BATCH = 16
LANES = 16
ROWS_PER_W = 64
CHUNKS = D // LANES


def _sc_body(offs_hbm, nco_hbm, values_hbm,
             out_hbm, nseq_hbm, noffs_hbm,
             offs_v, nco_v, nseq_v, idx_v, rows_v, out_v, sem_in):
    cid = lax.axis_index("c")
    sid = lax.axis_index("s")
    wid = sid * 2 + cid
    b = wid // 2
    half = wid - 2 * b

    pltpu.sync_copy(offs_hbm, offs_v)
    ends = offs_v[pl.ds(1, LANES)]
    lane = lax.iota(jnp.int32, 16)
    end_b = jnp.sum(jnp.where(lane == b, ends, 0))
    start = end_b - CAND + half * ROWS_PER_W

    for c in range(ROWS_PER_W // LANES):
        idx_v[pl.ds(c * LANES, LANES)] = start + c * LANES + lane
    cp_in = pltpu.make_async_copy(values_hbm.at[idx_v], rows_v, sem_in)
    cp_in.start()

    @pl.when(wid == 0)
    def _aux():
        pltpu.sync_copy(nco_hbm, nco_v)
        nseq_v[...] = nco_v[pl.ds(1, LANES)] - nco_v[pl.ds(0, LANES)]
        pltpu.sync_copy(nseq_v, nseq_hbm)
        pltpu.sync_copy(nco_hbm, noffs_hbm)

    def _norm_rows():
        @plsc.parallel_loop(0, ROWS_PER_W, step=1)
        def _row(r):
            rs = r
            xs = []
            accs = [jnp.zeros((LANES,), jnp.float32) for _ in range(8)]
            for c in range(CHUNKS):
                x = rows_v[rs, pl.ds(c * LANES, LANES)]
                xs.append(x)
                accs[c % 8] = accs[c % 8] + x * x
            a0 = (accs[0] + accs[1]) + (accs[2] + accs[3])
            a1 = (accs[4] + accs[5]) + (accs[6] + accs[7])
            s = jnp.sum(a0 + a1)
            sv = jnp.zeros((LANES,), jnp.float32) + s
            iv = plsc.bitcast(sv, jnp.int32)
            y = plsc.bitcast(jnp.int32(0x5F3759DF) - (iv >> 1), jnp.float32)
            hsv = 0.5 * sv
            for _ in range(2):
                y = y * (1.5 - hsv * y * y)
            norm = sv * y
            inv = jnp.where(norm > 1e-6, y, 1e6)
            for c in range(CHUNKS):
                out_v[r, pl.ds(c * LANES, LANES)] = xs[c] * inv

    cp_in.wait()
    _norm_rows()
    pltpu.sync_copy(out_v, out_hbm.at[pl.ds(wid * ROWS_PER_W, ROWS_PER_W)])


@jax.jit
def _sc_split_norm(offs, nco, values):
    mesh = plsc.VectorSubcoreMesh(core_axis_name="c", subcore_axis_name="s")
    return pl.kernel(
        _sc_body,
        out_type=[
            jax.ShapeDtypeStruct((BATCH * CAND, D), jnp.float32),
            jax.ShapeDtypeStruct((BATCH,), jnp.int32),
            jax.ShapeDtypeStruct((BATCH + 1,), jnp.int32),
        ],
        mesh=mesh,
        scratch_types=[
            pltpu.VMEM((BATCH + 1,), jnp.int32),
            pltpu.VMEM((BATCH + 1,), jnp.int32),
            pltpu.VMEM((BATCH,), jnp.int32),
            pltpu.VMEM((ROWS_PER_W,), jnp.int32),
            pltpu.VMEM((ROWS_PER_W, D), jnp.float32),
            pltpu.VMEM((ROWS_PER_W, D), jnp.float32),
            pltpu.SemaphoreType.DMA,
        ],
        compiler_params=pltpu.CompilerParams(needs_layout_passes=False),
    )(offs, nco, values)


def kernel(values, seqlen_offsets, num_candidates_offsets, max_seqlen, max_num_candidates):
    offs = seqlen_offsets.astype(jnp.int32)
    nco = num_candidates_offsets.astype(jnp.int32)
    emb, new_seqlen, new_offsets = _sc_split_norm(offs, nco, values)
    return emb, new_seqlen, new_offsets

# --- scband reference (transcript-rebuilt; emitter-appended) ---
"""Pipeline reference for scband-hstublock-postprocessor-17918603559568 (READ-ONLY COPY).

The authoritative reference and input builder live on the scoring server;
editing this copy changes nothing except your own understanding.
"""

import jax, jax.numpy as jnp
import numpy as np


def setup_inputs(seed: int = 0) -> dict:
    key = jax.random.key(seed)
    batch = 16
    d = 512
    total_tokens = 32768
    # deterministic jagged lengths summing to total_tokens
    lengths = np.linspace(1024, 3072, batch).astype(np.int64)
    lengths[-1] += total_tokens - lengths.sum()
    seqlen_offsets = jnp.asarray(np.concatenate([[0], np.cumsum(lengths)]), dtype=jnp.int32)
    # 128 candidates at the tail of every sequence (max_num_candidates > 0 branch)
    num_cand = np.full(batch, 128, dtype=np.int64)
    num_candidates_offsets = jnp.asarray(np.concatenate([[0], np.cumsum(num_cand)]), dtype=jnp.int32)
    values = jax.random.normal(key, (total_tokens, d), dtype=jnp.float32)
    return {
        "values": values,
        "seqlen_offsets": seqlen_offsets,
        "num_candidates_offsets": num_candidates_offsets,
        "max_seqlen": 4096,
        "max_num_candidates": 128,
    }


def reference(values, seqlen_offsets, num_candidates_offsets, max_seqlen, max_num_candidates):
    # HSTUBlockPostprocessor.forward, max_num_candidates > 0 path,
    # has_interleaved_action=False. triton_split_2D_jagged keeps the last
    # num_candidates[i] rows of each jagged sequence (offsets_b part).
    seqlen_offsets = seqlen_offsets.astype(jnp.int32)
    nco = num_candidates_offsets.astype(jnp.int32)
    num_cand = nco[1:] - nco[:-1]
    # start (within flat values) of the candidate tail of each sequence
    cand_start = seqlen_offsets[1:] - num_cand
    total_cand = 128 * (num_candidates_offsets.shape[0] - 1)
    q = jnp.arange(total_cand, dtype=jnp.int32)
    seg = jnp.searchsorted(nco, q, side="right") - 1
    src = cand_start[seg] + (q - nco[seg])
    sequence_embeddings = jnp.take(values, src, axis=0)
    # L2 normalization with clamp(min=1e-6)
    norm = jnp.linalg.norm(sequence_embeddings, ord=2, axis=-1, keepdims=True)
    sequence_embeddings = sequence_embeddings / jnp.maximum(norm, 1e-6)
    new_seqlen = num_cand.astype(jnp.int32)
    new_offsets = nco
    return sequence_embeddings, new_seqlen, new_offsets

if __name__ == "__main__":
    import jax
    _d = setup_inputs()
    print(jax.jit(kernel)(*tuple(_d.values())))

</pallas_src>

<mosaic_0001>
#map = affine_map<(d0, d1) -> (0)>
#map1 = affine_map<(d0, d1) -> (0, 0)>
module attributes {stable_mosaic.version = 14 : i64} {
  func.func @_sc_body(%arg0: i32, %arg1: i32, %arg2: memref<17xi32, #tpu.memory_space<hbm>>, %arg3: memref<17xi32, #tpu.memory_space<hbm>>, %arg4: memref<32768x512xf32, #tpu.memory_space<hbm>>, %arg5: memref<2048x512xf32, #tpu.memory_space<hbm>>, %arg6: memref<16xi32, #tpu.memory_space<hbm>>, %arg7: memref<17xi32, #tpu.memory_space<hbm>>, %arg8: memref<17xi32, #tpu.memory_space<vmem>>, %arg9: memref<17xi32, #tpu.memory_space<vmem>>, %arg10: memref<16xi32, #tpu.memory_space<vmem>>, %arg11: memref<64xi32, #tpu.memory_space<vmem>>, %arg12: memref<64x512xf32, #tpu.memory_space<vmem>>, %arg13: memref<64x512xf32, #tpu.memory_space<vmem>>, %arg14: memref<!tpu.dma_semaphore, #tpu.memory_space<semaphore_mem>>) attributes {dimension_semantics = [#tpu.dimension_semantics<core_parallel>, #tpu.dimension_semantics<subcore_parallel>], iteration_bounds = array<i64: 2, 16>, scalar_prefetch = 0 : i64, scratch_operands = 7 : i64, tpu.core_type = #tpu.core_type<sc_vector_subcore>, window_params = [{transform_indices = #map}, {transform_indices = #map}, {transform_indices = #map1}, {transform_indices = #map1}, {transform_indices = #map}, {transform_indices = #map}]} {
    %mul3A = arith.constant 2 : i32
    %mul3A_0 = arith.muli %arg1, %mul3A : i32
    %add3A = arith.addi %mul3A_0, %arg0 : i32
    %jit3A = arith.constant 2 : i32
    %div3A = arith.divsi %add3A, %jit3A : i32
    %sign3A = arith.constant 0 : i32
    %sign3A_1 = arith.cmpi sgt, %add3A, %sign3A : i32
    %sign3A_2 = arith.extui %sign3A_1 : i1 to i32
    %sign3A_3 = arith.constant 0 : i32
    %sign3A_4 = arith.cmpi slt, %add3A, %sign3A_3 : i32
    %sign3A_5 = arith.extui %sign3A_4 : i1 to i32
    %sign3A_6 = arith.subi %sign3A_2, %sign3A_5 : i32
    %sign3A_7 = arith.constant 0 : i32
    %sign3A_8 = arith.cmpi sgt, %jit3A, %sign3A_7 : i32
    %sign3A_9 = arith.extui %sign3A_8 : i1 to i32
    %sign3A_10 = arith.constant 0 : i32
    %sign3A_11 = arith.cmpi slt, %jit3A, %sign3A_10 : i32
    %sign3A_12 = arith.extui %sign3A_11 : i1 to i32
    %sign3A_13 = arith.subi %sign3A_9, %sign3A_12 : i32
    %ne3A = arith.cmpi ne, %sign3A_6, %sign3A_13 : i32
    %rem3A = arith.remsi %add3A, %jit3A : i32
    %ne3A_14 = arith.constant 0 : i32
    %ne3A_15 = arith.cmpi ne, %rem3A, %ne3A_14 : i32
    %and3A = arith.andi %ne3A, %ne3A_15 : i1
    %sub3A = arith.constant 1 : i32
    %sub3A_16 = arith.subi %div3A, %sub3A : i32
    %select_n3A = arith.select %and3A, %sub3A_16, %div3A : i32
    %mul3A_17 = arith.constant 2 : i32
    %mul3A_18 = arith.muli %mul3A_17, %select_n3A : i32
    %sub3A_19 = arith.subi %add3A, %mul3A_18 : i32
    "tpu.region"() ({
      %run_scoped3A = tpu.sem_alloc : memref<!tpu.dma_semaphore, #tpu.memory_space<semaphore_mem>>
      tpu.enqueue_dma source(%arg2 : memref<17xi32, #tpu.memory_space<hbm>>) target(%arg8 : memref<17xi32, #tpu.memory_space<vmem>>) target_semaphore(%run_scoped3A : memref<!tpu.dma_semaphore, #tpu.memory_space<semaphore_mem>>)
      tpu.wait_dma2 semaphore(%run_scoped3A : memref<!tpu.dma_semaphore, #tpu.memory_space<semaphore_mem>>) src(%arg2 : memref<17xi32, #tpu.memory_space<hbm>>) dst(%arg8 : memref<17xi32, #tpu.memory_space<vmem>>)
      tpu.yield
    }) : () -> ()
    %get3A = arith.constant 1 : index
    %get3A_20 = tpu.vector_load %arg8[%get3A] {strides = array<i32>} : memref<17xi32, #tpu.memory_space<vmem>>, vector<16xi32>,
    %iota3A = tpu.iota {dimensions = array<i32: 0>} : vector<16xi32>
    %eq3A = vector.broadcast %select_n3A : i32 to vector<16xi32>
    %eq3A_21 = arith.cmpi eq, %iota3A, %eq3A : vector<16xi32>
    %jit3A_22 = arith.constant 0 : i32
    %broadcast_in_dim3A = vector.broadcast %jit3A_22 : i32 to vector<16xi32>
    %select_n3A_23 = arith.select %eq3A_21, %get3A_20, %broadcast_in_dim3A : vector<16xi1>, vector<16xi32>
    %reduce_sum3A = arith.constant true
    %reduce_sum3A_24 = vector.broadcast %reduce_sum3A : i1 to vector<16xi1>
    %reduce_sum3A_25 = tpu.scan <sum>, %select_n3A_23 masked %reduce_sum3A_24 : vector<16xi32>, vector<16xi1> -> vector<16xi32>
    %reduce_sum3A_26 = vector.extract %reduce_sum3A_25[15] : i32 from vector<16xi32>
    %sub3A_27 = arith.constant 128 : i32
    %sub3A_28 = arith.subi %reduce_sum3A_26, %sub3A_27 : i32
    %mul3A_29 = arith.constant 64 : i32
    %mul3A_30 = arith.muli %sub3A_19, %mul3A_29 : i32
    %add3A_31 = arith.addi %sub3A_28, %mul3A_30 : i32
    %add3A_32 = arith.constant 0 : i32
    %add3A_33 = arith.addi %add3A_31, %add3A_32 : i32
    %add3A_34 = vector.broadcast %add3A_33 : i32 to vector<16xi32>
    %add3A_35 = arith.addi %add3A_34, %iota3A : vector<16xi32>
    %swap3A = arith.constant 0 : index
    %swap3A_36 = tpu.vector_load %arg11[%swap3A] {strides = array<i32>} : memref<64xi32, #tpu.memory_space<vmem>>, vector<16xi32>,
    tpu.vector_store %arg11[%swap3A], %add3A_35 {strides = array<i32>} : memref<64xi32, #tpu.memory_space<vmem>>, vector<16xi32>,
    %add3A_37 = arith.constant 16 : i32
    %add3A_38 = arith.addi %add3A_31, %add3A_37 : i32
    %add3A_39 = vector.broadcast %add3A_38 : i32 to vector<16xi32>
    %add3A_40 = arith.addi %add3A_39, %iota3A : vector<16xi32>
    %swap3A_41 = arith.constant 16 : index
    %swap3A_42 = tpu.vector_load %arg11[%swap3A_41] {strides = array<i32>} : memref<64xi32, #tpu.memory_space<vmem>>, vector<16xi32>,
    tpu.vector_store %arg11[%swap3A_41], %add3A_40 {strides = array<i32>} : memref<64xi32, #tpu.memory_space<vmem>>, vector<16xi32>,
    %add3A_43 = arith.constant 32 : i32
    %add3A_44 = arith.addi %add3A_31, %add3A_43 : i32
    %add3A_45 = vector.broadcast %add3A_44 : i32 to vector<16xi32>
    %add3A_46 = arith.addi %add3A_45, %iota3A : vector<16xi32>
    %swap3A_47 = arith.constant 32 : index
    %swap3A_48 = tpu.vector_load %arg11[%swap3A_47] {strides = array<i32>} : memref<64xi32, #tpu.memory_space<vmem>>, vector<16xi32>,
    tpu.vector_store %arg11[%swap3A_47], %add3A_46 {strides = array<i32>} : memref<64xi32, #tpu.memory_space<vmem>>, vector<16xi32>,
    %add3A_49 = arith.constant 48 : i32
    %add3A_50 = arith.addi %add3A_31, %add3A_49 : i32
    %add3A_51 = vector.broadcast %add3A_50 : i32 to vector<16xi32>
    %add3A_52 = arith.addi %add3A_51, %iota3A : vector<16xi32>
    %swap3A_53 = arith.constant 48 : index
    %swap3A_54 = tpu.vector_load %arg11[%swap3A_53] {strides = array<i32>} : memref<64xi32, #tpu.memory_space<vmem>>, vector<16xi32>,
    tpu.vector_store %arg11[%swap3A_53], %add3A_52 {strides = array<i32>} : memref<64xi32, #tpu.memory_space<vmem>>, vector<16xi32>,
    %dma_start3A = arith.constant 0 : i32
    %dma_start3A_55 = arith.constant 0 : i32
    %dma_start3A_56 = tpu.memref_slice %arg4[%dma_start3A, %dma_start3A_55] : memref<32768x512xf32, #tpu.memory_space<hbm>> -> memref<32768x512xf32, #tpu.memory_space<hbm>>
    tpu.enqueue_indirect_dma source(%dma_start3A_56 : memref<32768x512xf32, #tpu.memory_space<hbm>>) target(%arg12 : memref<64x512xf32, #tpu.memory_space<vmem>>) offsets(%arg11 : memref<64xi32, #tpu.memory_space<vmem>>) semaphore(%arg14 : memref<!tpu.dma_semaphore, #tpu.memory_space<semaphore_mem>>)
    %eq3A_57 = arith.constant 0 : i32
    %eq3A_58 = arith.cmpi eq, %add3A, %eq3A_57 : i32
    %convert_element_type3A = arith.extui %eq3A_58 : i1 to i32
    %cond3A = arith.constant 0 : i32
    %cond3A_59 = arith.cmpi ne, %convert_element_type3A, %cond3A : i32
    scf.if %cond3A_59 {
      "tpu.region"() ({
        %run_scoped3A = tpu.sem_alloc : memref<!tpu.dma_semaphore, #tpu.memory_space<semaphore_mem>>
        tpu.enqueue_dma source(%arg3 : memref<17xi32, #tpu.memory_space<hbm>>) target(%arg9 : memref<17xi32, #tpu.memory_space<vmem>>) target_semaphore(%run_scoped3A : memref<!tpu.dma_semaphore, #tpu.memory_space<semaphore_mem>>)
        tpu.wait_dma2 semaphore(%run_scoped3A : memref<!tpu.dma_semaphore, #tpu.memory_space<semaphore_mem>>) src(%arg3 : memref<17xi32, #tpu.memory_space<hbm>>) dst(%arg9 : memref<17xi32, #tpu.memory_space<vmem>>)
        tpu.yield
      }) : () -> ()
      %get3A_66 = arith.constant 1 : index
      %get3A_67 = tpu.vector_load %arg9[%get3A_66] {strides = array<i32>} : memref<17xi32, #tpu.memory_space<vmem>>, vector<16xi32>,
      %get3A_68 = arith.constant 0 : index
      %get3A_69 = tpu.vector_load %arg9[%get3A_68] {strides = array<i32>} : memref<17xi32, #tpu.memory_space<vmem>>, vector<16xi32>,
      %sub3A_70 = arith.subi %get3A_67, %get3A_69 : vector<16xi32>
      %swap3A_71 = arith.constant 0 : index
      %swap3A_72 = tpu.vector_load %arg10[%swap3A_71] {strides = array<i32>} : memref<16xi32, #tpu.memory_space<vmem>>, vector<16xi32>,
      tpu.vector_store %arg10[%swap3A_71], %sub3A_70 {strides = array<i32>} : memref<16xi32, #tpu.memory_space<vmem>>, vector<16xi32>,
      "tpu.region"() ({
        %run_scoped3A = tpu.sem_alloc : memref<!tpu.dma_semaphore, #tpu.memory_space<semaphore_mem>>
        tpu.enqueue_dma source(%arg10 : memref<16xi32, #tpu.memory_space<vmem>>) target(%arg6 : memref<16xi32, #tpu.memory_space<hbm>>) target_semaphore(%run_scoped3A : memref<!tpu.dma_semaphore, #tpu.memory_space<semaphore_mem>>)
        tpu.wait_dma2 semaphore(%run_scoped3A : memref<!tpu.dma_semaphore, #tpu.memory_space<semaphore_mem>>) src(%arg10 : memref<16xi32, #tpu.memory_space<vmem>>) dst(%arg6 : memref<16xi32, #tpu.memory_space<hbm>>)
        tpu.yield
      }) : () -> ()
      "tpu.region"() ({
        %run_scoped3A = tpu.sem_alloc : memref<!tpu.dma_semaphore, #tpu.memory_space<semaphore_mem>>
        tpu.enqueue_dma source(%arg3 : memref<17xi32, #tpu.memory_space<hbm>>) target(%arg7 : memref<17xi32, #tpu.memory_space<hbm>>) target_semaphore(%run_scoped3A : memref<!tpu.dma_semaphore, #tpu.memory_space<semaphore_mem>>)
        tpu.wait_dma2 semaphore(%run_scoped3A : memref<!tpu.dma_semaphore, #tpu.memory_space<semaphore_mem>>) src(%arg3 : memref<17xi32, #tpu.memory_space<hbm>>) dst(%arg7 : memref<17xi32, #tpu.memory_space<hbm>>)
        tpu.yield
      }) : () -> ()
    } else {
    }
    %dma_wait3A = arith.constant 0 : i32
    %dma_wait3A_60 = arith.constant 0 : i32
    %dma_wait3A_61 = tpu.memref_slice %arg4[%dma_wait3A, %dma_wait3A_60] : memref<32768x512xf32, #tpu.memory_space<hbm>> -> memref<32768x512xf32, #tpu.memory_space<hbm>>
    tpu.wait_indirect_dma semaphore(%arg14 : memref<!tpu.dma_semaphore, #tpu.memory_space<semaphore_mem>>) src(%dma_wait3A_61 : memref<32768x512xf32, #tpu.memory_space<hbm>>) dst(%arg12 : memref<64x512xf32, #tpu.memory_space<vmem>>)
    %parallel_loop3A = arith.constant 0 : i32
    %parallel_loop3A_62 = arith.constant 64 : i32
    %parallel_loop3A_63 = arith.constant 1 : i32
    scf.for %parallel_loop3A_66 = %parallel_loop3A to %parallel_loop3A_62 step %parallel_loop3A_63  : i32 {
      %parallel_loop3A_67 = arith.constant 0.000000e+00 : f32
      %parallel_loop3A_68 = vector.broadcast %parallel_loop3A_67 : f32 to vector<16xf32>
      %parallel_loop3A_69 = arith.constant 0.000000e+00 : f32
      %parallel_loop3A_70 = vector.broadcast %parallel_loop3A_69 : f32 to vector<16xf32>
      %parallel_loop3A_71 = arith.constant 0.000000e+00 : f32
      %parallel_loop3A_72 = vector.broadcast %parallel_loop3A_71 : f32 to vector<16xf32>
      %parallel_loop3A_73 = arith.constant 0.000000e+00 : f32
      %parallel_loop3A_74 = vector.broadcast %parallel_loop3A_73 : f32 to vector<16xf32>
      %parallel_loop3A_75 = arith.constant 0.000000e+00 : f32
      %parallel_loop3A_76 = vector.broadcast %parallel_loop3A_75 : f32 to vector<16xf32>
      %parallel_loop3A_77 = arith.constant 0.000000e+00 : f32
      %parallel_loop3A_78 = vector.broadcast %parallel_loop3A_77 : f32 to vector<16xf32>
      %parallel_loop3A_79 = arith.constant 0.000000e+00 : f32
      %parallel_loop3A_80 = vector.broadcast %parallel_loop3A_79 : f32 to vector<16xf32>
      %parallel_loop3A_81 = arith.constant 0.000000e+00 : f32
      %parallel_loop3A_82 = vector.broadcast %parallel_loop3A_81 : f32 to vector<16xf32>
      %parallel_loop3A_83 = arith.index_cast %parallel_loop3A_66 : i32 to index
      %parallel_loop3A_84 = arith.constant 0 : index
      %parallel_loop3A_85 = tpu.vector_load %arg12[%parallel_loop3A_83, %parallel_loop3A_84] {strides = array<i32>} : memref<64x512xf32, #tpu.memory_space<vmem>>, vector<16xf32>,
      %parallel_loop3A_86 = arith.mulf %parallel_loop3A_85, %parallel_loop3A_85 : vector<16xf32>
      %parallel_loop3A_87 = arith.addf %parallel_loop3A_68, %parallel_loop3A_86 : vector<16xf32>
      %parallel_loop3A_88 = arith.index_cast %parallel_loop3A_66 : i32 to index
      %parallel_loop3A_89 = arith.constant 16 : index
      %parallel_loop3A_90 = tpu.vector_load %arg12[%parallel_loop3A_88, %parallel_loop3A_89] {strides = array<i32>} : memref<64x512xf32, #tpu.memory_space<vmem>>, vector<16xf32>,
      %parallel_loop3A_91 = arith.mulf %parallel_loop3A_90, %parallel_loop3A_90 : vector<16xf32>
      %parallel_loop3A_92 = arith.addf %parallel_loop3A_70, %parallel_loop3A_91 : vector<16xf32>
      %parallel_loop3A_93 = arith.index_cast %parallel_loop3A_66 : i32 to index
      %parallel_loop3A_94 = arith.constant 32 : index
      %parallel_loop3A_95 = tpu.vector_load %arg12[%parallel_loop3A_93, %parallel_loop3A_94] {strides = array<i32>} : memref<64x512xf32, #tpu.memory_space<vmem>>, vector<16xf32>,
      %parallel_loop3A_96 = arith.mulf %parallel_loop3A_95, %parallel_loop3A_95 : vector<16xf32>
      %parallel_loop3A_97 = arith.addf %parallel_loop3A_72, %parallel_loop3A_96 : vector<16xf32>
      %parallel_loop3A_98 = arith.index_cast %parallel_loop3A_66 : i32 to index
      %parallel_loop3A_99 = arith.constant 48 : index
      %parallel_loop3A_100 = tpu.vector_load %arg12[%parallel_loop3A_98, %parallel_loop3A_99] {strides = array<i32>} : memref<64x512xf32, #tpu.memory_space<vmem>>, vector<16xf32>,
      %parallel_loop3A_101 = arith.mulf %parallel_loop3A_100, %parallel_loop3A_100 : vector<16xf32>
      %parallel_loop3A_102 = arith.addf %parallel_loop3A_74, %parallel_loop3A_101 : vector<16xf32>
      %parallel_loop3A_103 = arith.index_cast %parallel_loop3A_66 : i32 to index
      %parallel_loop3A_104 = arith.constant 64 : index
      %parallel_loop3A_105 = tpu.vector_load %arg12[%parallel_loop3A_103, %parallel_loop3A_104] {strides = array<i32>} : memref<64x512xf32, #tpu.memory_space<vmem>>, vector<16xf32>,
      %parallel_loop3A_106 = arith.mulf %parallel_loop3A_105, %parallel_loop3A_105 : vector<16xf32>
      %parallel_loop3A_107 = arith.addf %parallel_loop3A_76, %parallel_loop3A_106 : vector<16xf32>
      %parallel_loop3A_108 = arith.index_cast %parallel_loop3A_66 : i32 to index
      %parallel_loop3A_109 = arith.constant 80 : index
      %parallel_loop3A_110 = tpu.vector_load %arg12[%parallel_loop3A_108, %parallel_loop3A_109] {strides = array<i32>} : memref<64x512xf32, #tpu.memory_space<vmem>>, vector<16xf32>,
      %parallel_loop3A_111 = arith.mulf %parallel_loop3A_110, %parallel_loop3A_110 : vector<16xf32>
      %parallel_loop3A_112 = arith.addf %parallel_loop3A_78, %parallel_loop3A_111 : vector<16xf32>
      %parallel_loop3A_113 = arith.index_cast %parallel_loop3A_66 : i32 to index
      %parallel_loop3A_114 = arith.constant 96 : index
      %parallel_loop3A_115 = tpu.vector_load %arg12[%parallel_loop3A_113, %parallel_loop3A_114] {strides = array<i32>} : memref<64x512xf32, #tpu.memory_space<vmem>>, vector<16xf32>,
      %parallel_loop3A_116 = arith.mulf %parallel_loop3A_115, %parallel_loop3A_115 : vector<16xf32>
      %parallel_loop3A_117 = arith.addf %parallel_loop3A_80, %parallel_loop3A_116 : vector<16xf32>
      %parallel_loop3A_118 = arith.index_cast %parallel_loop3A_66 : i32 to index
      %parallel_loop3A_119 = arith.constant 112 : index
      %parallel_loop3A_120 = tpu.vector_load %arg12[%parallel_loop3A_118, %parallel_loop3A_119] {strides = array<i32>} : memref<64x512xf32, #tpu.memory_space<vmem>>, vector<16xf32>,
      %parallel_loop3A_121 = arith.mulf %parallel_loop3A_120, %parallel_loop3A_120 : vector<16xf32>
      %parallel_loop3A_122 = arith.addf %parallel_loop3A_82, %parallel_loop3A_121 : vector<16xf32>
      %parallel_loop3A_123 = arith.index_cast %parallel_loop3A_66 : i32 to index
      %parallel_loop3A_124 = arith.constant 128 : index
      %parallel_loop3A_125 = tpu.vector_load %arg12[%parallel_loop3A_123, %parallel_loop3A_124] {strides = array<i32>} : memref<64x512xf32, #tpu.memory_space<vmem>>, vector<16xf32>,
      %parallel_loop3A_126 = arith.mulf %parallel_loop3A_125, %parallel_loop3A_125 : vector<16xf32>
      %parallel_loop3A_127 = arith.addf %parallel_loop3A_87, %parallel_loop3A_126 : vector<16xf32>
      %parallel_loop3A_128 = arith.index_cast %parallel_loop3A_66 : i32 to index
      %parallel_loop3A_129 = arith.constant 144 : index
      %parallel_loop3A_130 = tpu.vector_load %arg12[%parallel_loop3A_128, %parallel_loop3A_129] {strides = array<i32>} : memref<64x512xf32, #tpu.memory_space<vmem>>, vector<16xf32>,
      %parallel_loop3A_131 = arith.mulf %parallel_loop3A_130, %parallel_loop3A_130 : vector<16xf32>
      %parallel_loop3A_132 = arith.addf %parallel_loop3A_92, %parallel_loop3A_131 : vector<16xf32>
      %parallel_loop3A_133 = arith.index_cast %parallel_loop3A_66 : i32 to index
      %parallel_loop3A_134 = arith.constant 160 : index
      %parallel_loop3A_135 = tpu.vector_load %arg12[%parallel_loop3A_133, %parallel_loop3A_134] {strides = array<i32>} : memref<64x512xf32, #tpu.memory_space<vmem>>, vector<16xf32>,
      %parallel_loop3A_136 = arith.mulf %parallel_loop3A_135, %parallel_loop3A_135 : vector<16xf32>
      %parallel_loop3A_137 = arith.addf %parallel_loop3A_97, %parallel_loop3A_136 : vector<16xf32>
      %parallel_loop3A_138 = arith.index_cast %parallel_loop3A_66 : i32 to index
      %parallel_loop3A_139 = arith.constant 176 : index
      %parallel_loop3A_140 = tpu.vector_load %arg12[%parallel_loop3A_138, %parallel_loop3A_139] {strides = array<i32>} : memref<64x512xf32, #tpu.memory_space<vmem>>, vector<16xf32>,
      %parallel_loop3A_141 = arith.mulf %parallel_loop3A_140, %parallel_loop3A_140 : vector<16xf32>
      %parallel_loop3A_142 = arith.addf %parallel_loop3A_102, %parallel_loop3A_141 : vector<16xf32>
      %parallel_loop3A_143 = arith.index_cast %parallel_loop3A_66 : i32 to index
      %parallel_loop3A_144 = arith.constant 192 : index
      %parallel_loop3A_145 = tpu.vector_load %arg12[%parallel_loop3A_143, %parallel_loop3A_144] {strides = array<i32>} : memref<64x512xf32, #tpu.memory_space<vmem>>, vector<16xf32>,
      %parallel_loop3A_146 = arith.mulf %parallel_loop3A_145, %parallel_loop3A_145 : vector<16xf32>
      %parallel_loop3A_147 = arith.addf %parallel_loop3A_107, %parallel_loop3A_146 : vector<16xf32>
      %parallel_loop3A_148 = arith.index_cast %parallel_loop3A_66 : i32 to index
      %parallel_loop3A_149 = arith.constant 208 : index
      %parallel_loop3A_150 = tpu.vector_load %arg12[%parallel_loop3A_148, %parallel_loop3A_149] {strides = array<i32>} : memref<64x512xf32, #tpu.memory_space<vmem>>, vector<16xf32>,
      %parallel_loop3A_151 = arith.mulf %parallel_loop3A_150, %parallel_loop3A_150 : vector<16xf32>
      %parallel_loop3A_152 = arith.addf %parallel_loop3A_112, %parallel_loop3A_151 : vector<16xf32>
      %parallel_loop3A_153 = arith.index_cast %parallel_loop3A_66 : i32 to index
      %parallel_loop3A_154 = arith.constant 224 : index
      %parallel_loop3A_155 = tpu.vector_load %arg12[%parallel_loop3A_153, %parallel_loop3A_154] {strides = array<i32>} : memref<64x512xf32, #tpu.memory_space<vmem>>, vector<16xf32>,
      %parallel_loop3A_156 = arith.mulf %parallel_loop3A_155, %parallel_loop3A_155 : vector<16xf32>
      %parallel_loop3A_157 = arith.addf %parallel_loop3A_117, %parallel_loop3A_156 : vector<16xf32>
      %parallel_loop3A_158 = arith.index_cast %parallel_loop3A_66 : i32 to index
      %parallel_loop3A_159 = arith.constant 240 : index
      %parallel_loop3A_160 = tpu.vector_load %arg12[%parallel_loop3A_158, %parallel_loop3A_159] {strides = array<i32>} : memref<64x512xf32, #tpu.memory_space<vmem>>, vector<16xf32>,
      %parallel_loop3A_161 = arith.mulf %parallel_loop3A_160, %parallel_loop3A_160 : vector<16xf32>
      %parallel_loop3A_162 = arith.addf %parallel_loop3A_122, %parallel_loop3A_161 : vector<16xf32>
      %parallel_loop3A_163 = arith.index_cast %parallel_loop3A_66 : i32 to index
      %parallel_loop3A_164 = arith.constant 256 : index
      %parallel_loop3A_165 = tpu.vector_load %arg12[%parallel_loop3A_163, %parallel_loop3A_164] {strides = array<i32>} : memref<64x512xf32, #tpu.memory_space<vmem>>, vector<16xf32>,
      %parallel_loop3A_166 = arith.mulf %parallel_loop3A_165, %parallel_loop3A_165 : vector<16xf32>
      %parallel_loop3A_167 = arith.addf %parallel_loop3A_127, %parallel_loop3A_166 : vector<16xf32>
      %parallel_loop3A_168 = arith.index_cast %parallel_loop3A_66 : i32 to index
      %parallel_loop3A_169 = arith.constant 272 : index
      %parallel_loop3A_170 = tpu.vector_load %arg12[%parallel_loop3A_168, %parallel_loop3A_169] {strides = array<i32>} : memref<64x512xf32, #tpu.memory_space<vmem>>, vector<16xf32>,
      %parallel_loop3A_171 = arith.mulf %parallel_loop3A_170, %parallel_loop3A_170 : vector<16xf32>
      %parallel_loop3A_172 = arith.addf %parallel_loop3A_132, %parallel_loop3A_171 : vector<16xf32>
      %parallel_loop3A_173 = arith.index_cast %parallel_loop3A_66 : i32 to index
      %parallel_loop3A_174 = arith.constant 288 : index
      %parallel_loop3A_175 = tpu.vector_load %arg12[%parallel_loop3A_173, %parallel_loop3A_174] {strides = array<i32>} : memref<64x512xf32, #tpu.memory_space<vmem>>, vector<16xf32>,
      %parallel_loop3A_176 = arith.mulf %parallel_loop3A_175, %parallel_loop3A_175 : vector<16xf32>
      %parallel_loop3A_177 = arith.addf %parallel_loop3A_137, %parallel_loop3A_176 : vector<16xf32>
      %parallel_loop3A_178 = arith.index_cast %parallel_loop3A_66 : i32 to index
      %parallel_loop3A_179 = arith.constant 304 : index
      %parallel_loop3A_180 = tpu.vector_load %arg12[%parallel_loop3A_178, %parallel_loop3A_179] {strides = array<i32>} : memref<64x512xf32, #tpu.memory_space<vmem>>, vector<16xf32>,
      %parallel_loop3A_181 = arith.mulf %parallel_loop3A_180, %parallel_loop3A_180 : vector<16xf32>
      %parallel_loop3A_182 = arith.addf %parallel_loop3A_142, %parallel_loop3A_181 : vector<16xf32>
      %parallel_loop3A_183 = arith.index_cast %parallel_loop3A_66 : i32 to index
      %parallel_loop3A_184 = arith.constant 320 : index
      %parallel_loop3A_185 = tpu.vector_load %arg12[%parallel_loop3A_183, %parallel_loop3A_184] {strides = array<i32>} : memref<64x512xf32, #tpu.memory_space<vmem>>, vector<16xf32>,
      %parallel_loop3A_186 = arith.mulf %parallel_loop3A_185, %parallel_loop3A_185 : vector<16xf32>
      %parallel_loop3A_187 = arith.addf %parallel_loop3A_147, %parallel_loop3A_186 : vector<16xf32>
      %parallel_loop3A_188 = arith.index_cast %parallel_loop3A_66 : i32 to index
      %parallel_loop3A_189 = arith.constant 336 : index
      %parallel_loop3A_190 = tpu.vector_load %arg12[%parallel_loop3A_188, %parallel_loop3A_189] {strides = array<i32>} : memref<64x512xf32, #tpu.memory_space<vmem>>, vector<16xf32>,
      %parallel_loop3A_191 = arith.mulf %parallel_loop3A_190, %parallel_loop3A_190 : vector<16xf32>
      %parallel_loop3A_192 = arith.addf %parallel_loop3A_152, %parallel_loop3A_191 : vector<16xf32>
      %parallel_loop3A_193 = arith.index_cast %parallel_loop3A_66 : i32 to index
      %parallel_loop3A_194 = arith.constant 352 : index
      %parallel_loop3A_195 = tpu.vector_load %arg12[%parallel_loop3A_193, %parallel_loop3A_194] {strides = array<i32>} : memref<64x512xf32, #tpu.memory_space<vmem>>, vector<16xf32>,
      %parallel_loop3A_196 = arith.mulf %parallel_loop3A_195, %parallel_loop3A_195 : vector<16xf32>
      %parallel_loop3A_197 = arith.addf %parallel_loop3A_157, %parallel_loop3A_196 : vector<16xf32>
      %parallel_loop3A_198 = arith.index_cast %parallel_loop3A_66 : i32 to index
      %parallel_loop3A_199 = arith.constant 368 : index
      %parallel_loop3A_200 = tpu.vector_load %arg12[%parallel_loop3A_198, %parallel_loop3A_199] {strides = array<i32>} : memref<64x512xf32, #tpu.memory_space<vmem>>, vector<16xf32>,
      %parallel_loop3A_201 = arith.mulf %parallel_loop3A_200, %parallel_loop3A_200 : vector<16xf32>
      %parallel_loop3A_202 = arith.addf %parallel_loop3A_162, %parallel_loop3A_201 : vector<16xf32>
      %parallel_loop3A_203 = arith.index_cast %parallel_loop3A_66 : i32 to index
      %parallel_loop3A_204 = arith.constant 384 : index
      %parallel_loop3A_205 = tpu.vector_load %arg12[%parallel_loop3A_203, %parallel_loop3A_204] {strides = array<i32>} : memref<64x512xf32, #tpu.memory_space<vmem>>, vector<16xf32>,
      %parallel_loop3A_206 = arith.mulf %parallel_loop3A_205, %parallel_loop3A_205 : vector<16xf32>
      %parallel_loop3A_207 = arith.addf %parallel_loop3A_167, %parallel_loop3A_206 : vector<16xf32>
      %parallel_loop3A_208 = arith.index_cast %parallel_loop3A_66 : i32 to index
      %parallel_loop3A_209 = arith.constant 400 : index
      %parallel_loop3A_210 = tpu.vector_load %arg12[%parallel_loop3A_208, %parallel_loop3A_209] {strides = array<i32>} : memref<64x512xf32, #tpu.memory_space<vmem>>, vector<16xf32>,
      %parallel_loop3A_211 = arith.mulf %parallel_loop3A_210, %parallel_loop3A_210 : vector<16xf32>
      %parallel_loop3A_212 = arith.addf %parallel_loop3A_172, %parallel_loop3A_211 : vector<16xf32>
      %parallel_loop3A_213 = arith.index_cast %parallel_loop3A_66 : i32 to index
      %parallel_loop3A_214 = arith.constant 416 : index
      %parallel_loop3A_215 = tpu.vector_load %arg12[%parallel_loop3A_213, %parallel_loop3A_214] {strides = array<i32>} : memref<64x512xf32, #tpu.memory_space<vmem>>, vector<16xf32>,
      %parallel_loop3A_216 = arith.mulf %parallel_loop3A_215, %parallel_loop3A_215 : vector<16xf32>
      %parallel_loop3A_217 = arith.addf %parallel_loop3A_177, %parallel_loop3A_216 : vector<16xf32>
      %parallel_loop3A_218 = arith.index_cast %parallel_loop3A_66 : i32 to index
      %parallel_loop3A_219 = arith.constant 432 : index
      %parallel_loop3A_220 = tpu.vector_load %arg12[%parallel_loop3A_218, %parallel_loop3A_219] {strides = array<i32>} : memref<64x512xf32, #tpu.memory_space<vmem>>, vector<16xf32>,
      %parallel_loop3A_221 = arith.mulf %parallel_loop3A_220, %parallel_loop3A_220 : vector<16xf32>
      %parallel_loop3A_222 = arith.addf %parallel_loop3A_182, %parallel_loop3A_221 : vector<16xf32>
      %parallel_loop3A_223 = arith.index_cast %parallel_loop3A_66 : i32 to index
      %parallel_loop3A_224 = arith.constant 448 : index
      %parallel_loop3A_225 = tpu.vector_load %arg12[%parallel_loop3A_223, %parallel_loop3A_224] {strides = array<i32>} : memref<64x512xf32, #tpu.memory_space<vmem>>, vector<16xf32>,
      %parallel_loop3A_226 = arith.mulf %parallel_loop3A_225, %parallel_loop3A_225 : vector<16xf32>
      %parallel_loop3A_227 = arith.addf %parallel_loop3A_187, %parallel_loop3A_226 : vector<16xf32>
      %parallel_loop3A_228 = arith.index_cast %parallel_loop3A_66 : i32 to index
      %parallel_loop3A_229 = arith.constant 464 : index
      %parallel_loop3A_230 = tpu.vector_load %arg12[%parallel_loop3A_228, %parallel_loop3A_229] {strides = array<i32>} : memref<64x512xf32, #tpu.memory_space<vmem>>, vector<16xf32>,
      %parallel_loop3A_231 = arith.mulf %parallel_loop3A_230, %parallel_loop3A_230 : vector<16xf32>
      %parallel_loop3A_232 = arith.addf %parallel_loop3A_192, %parallel_loop3A_231 : vector<16xf32>
      %parallel_loop3A_233 = arith.index_cast %parallel_loop3A_66 : i32 to index
      %parallel_loop3A_234 = arith.constant 480 : index
      %parallel_loop3A_235 = tpu.vector_load %arg12[%parallel_loop3A_233, %parallel_loop3A_234] {strides = array<i32>} : memref<64x512xf32, #tpu.memory_space<vmem>>, vector<16xf32>,
      %parallel_loop3A_236 = arith.mulf %parallel_loop3A_235, %parallel_loop3A_235 : vector<16xf32>
      %parallel_loop3A_237 = arith.addf %parallel_loop3A_197, %parallel_loop3A_236 : vector<16xf32>
      %parallel_loop3A_238 = arith.index_cast %parallel_loop3A_66 : i32 to index
      %parallel_loop3A_239 = arith.constant 496 : index
      %parallel_loop3A_240 = tpu.vector_load %arg12[%parallel_loop3A_238, %parallel_loop3A_239] {strides = array<i32>} : memref<64x512xf32, #tpu.memory_space<vmem>>, vector<16xf32>,
      %parallel_loop3A_241 = arith.mulf %parallel_loop3A_240, %parallel_loop3A_240 : vector<16xf32>
      %parallel_loop3A_242 = arith.addf %parallel_loop3A_202, %parallel_loop3A_241 : vector<16xf32>
      %parallel_loop3A_243 = arith.addf %parallel_loop3A_207, %parallel_loop3A_212 : vector<16xf32>
      %parallel_loop3A_244 = arith.addf %parallel_loop3A_217, %parallel_loop3A_222 : vector<16xf32>
      %parallel_loop3A_245 = arith.addf %parallel_loop3A_243, %parallel_loop3A_244 : vector<16xf32>
      %parallel_loop3A_246 = arith.addf %parallel_loop3A_227, %parallel_loop3A_232 : vector<16xf32>
      %parallel_loop3A_247 = arith.addf %parallel_loop3A_237, %parallel_loop3A_242 : vector<16xf32>
      %parallel_loop3A_248 = arith.addf %parallel_loop3A_246, %parallel_loop3A_247 : vector<16xf32>
      %parallel_loop3A_249 = arith.addf %parallel_loop3A_245, %parallel_loop3A_248 : vector<16xf32>
      %parallel_loop3A_250 = arith.constant true
      %parallel_loop3A_251 = vector.broadcast %parallel_loop3A_250 : i1 to vector<16xi1>
      %parallel_loop3A_252 = tpu.scan <sum>, %parallel_loop3A_249 masked %parallel_loop3A_251 : vector<16xf32>, vector<16xi1> -> vector<16xf32>
      %parallel_loop3A_253 = vector.extract %parallel_loop3A_252[15] : f32 from vector<16xf32>
      %parallel_loop3A_254 = arith.constant 0.000000e+00 : f32
      %parallel_loop3A_255 = vector.broadcast %parallel_loop3A_254 : f32 to vector<16xf32>
      %parallel_loop3A_256 = vector.broadcast %parallel_loop3A_253 : f32 to vector<16xf32>
      %parallel_loop3A_257 = arith.addf %parallel_loop3A_255, %parallel_loop3A_256 : vector<16xf32>
      %parallel_loop3A_258 = vector.bitcast %parallel_loop3A_257 : vector<16xf32> to vector<16xi32>
      %parallel_loop3A_259 = arith.constant 1 : i32
      %parallel_loop3A_260 = vector.broadcast %parallel_loop3A_259 : i32 to vector<16xi32>
      %parallel_loop3A_261 = arith.shrsi %parallel_loop3A_258, %parallel_loop3A_260 : vector<16xi32>
      %parallel_loop3A_262 = arith.constant 1597463007 : i32
      %parallel_loop3A_263 = vector.broadcast %parallel_loop3A_262 : i32 to vector<16xi32>
      %parallel_loop3A_264 = arith.subi %parallel_loop3A_263, %parallel_loop3A_261 : vector<16xi32>
      %parallel_loop3A_265 = vector.bitcast %parallel_loop3A_264 : vector<16xi32> to vector<16xf32>
      %parallel_loop3A_266 = arith.constant 5.000000e-01 : f32
      %parallel_loop3A_267 = vector.broadcast %parallel_loop3A_266 : f32 to vector<16xf32>
      %parallel_loop3A_268 = arith.mulf %parallel_loop3A_267, %parallel_loop3A_257 : vector<16xf32>
      %parallel_loop3A_269 = arith.mulf %parallel_loop3A_268, %parallel_loop3A_265 : vector<16xf32>
      %parallel_loop3A_270 = arith.mulf %parallel_loop3A_269, %parallel_loop3A_265 : vector<16xf32>
      %parallel_loop3A_271 = arith.constant 1.500000e+00 : f32
      %parallel_loop3A_272 = vector.broadcast %parallel_loop3A_271 : f32 to vector<16xf32>
      %parallel_loop3A_273 = arith.subf %parallel_loop3A_272, %parallel_loop3A_270 : vector<16xf32>
      %parallel_loop3A_274 = arith.mulf %parallel_loop3A_265, %parallel_loop3A_273 : vector<16xf32>
      %parallel_loop3A_275 = arith.mulf %parallel_loop3A_268, %parallel_loop3A_274 : vector<16xf32>
      %parallel_loop3A_276 = arith.mulf %parallel_loop3A_275, %parallel_loop3A_274 : vector<16xf32>
      %parallel_loop3A_277 = arith.constant 1.500000e+00 : f32
      %parallel_loop3A_278 = vector.broadcast %parallel_loop3A_277 : f32 to vector<16xf32>
      %parallel_loop3A_279 = arith.subf %parallel_loop3A_278, %parallel_loop3A_276 : vector<16xf32>
      %parallel_loop3A_280 = arith.mulf %parallel_loop3A_274, %parallel_loop3A_279 : vector<16xf32>
      %parallel_loop3A_281 = arith.mulf %parallel_loop3A_257, %parallel_loop3A_280 : vector<16xf32>
      %parallel_loop3A_282 = arith.constant 9.99999997E-7 : f32
      %parallel_loop3A_283 = vector.broadcast %parallel_loop3A_282 : f32 to vector<16xf32>
      %parallel_loop3A_284 = arith.cmpf ogt, %parallel_loop3A_281, %parallel_loop3A_283 : vector<16xf32>
      %parallel_loop3A_285 = arith.constant 1.000000e+06 : f32
      %parallel_loop3A_286 = vector.broadcast %parallel_loop3A_285 : f32 to vector<16xf32>
      %parallel_loop3A_287 = arith.select %parallel_loop3A_284, %parallel_loop3A_280, %parallel_loop3A_286 : vector<16xi1>, vector<16xf32>
      %parallel_loop3A_288 = arith.mulf %parallel_loop3A_85, %parallel_loop3A_287 : vector<16xf32>
      %parallel_loop3A_289 = arith.index_cast %parallel_loop3A_66 : i32 to index
      %parallel_loop3A_290 = arith.constant 0 : index
      %parallel_loop3A_291 = tpu.vector_load %arg13[%parallel_loop3A_289, %parallel_loop3A_290] {strides = array<i32>} : memref<64x512xf32, #tpu.memory_space<vmem>>, vector<16xf32>,
      tpu.vector_store %arg13[%parallel_loop3A_289, %parallel_loop3A_290], %parallel_loop3A_288 {strides = array<i32>} : memref<64x512xf32, #tpu.memory_space<vmem>>, vector<16xf32>,
      %parallel_loop3A_292 = arith.mulf %parallel_loop3A_90, %parallel_loop3A_287 : vector<16xf32>
      %parallel_loop3A_293 = arith.index_cast %parallel_loop3A_66 : i32 to index
      %parallel_loop3A_294 = arith.constant 16 : index
      %parallel_loop3A_295 = tpu.vector_load %arg13[%parallel_loop3A_293, %parallel_loop3A_294] {strides = array<i32>} : memref<64x512xf32, #tpu.memory_space<vmem>>, vector<16xf32>,
      tpu.vector_store %arg13[%parallel_loop3A_293, %parallel_loop3A_294], %parallel_loop3A_292 {strides = array<i32>} : memref<64x512xf32, #tpu.memory_space<vmem>>, vector<16xf32>,
      %parallel_loop3A_296 = arith.mulf %parallel_loop3A_95, %parallel_loop3A_287 : vector<16xf32>
      %parallel_loop3A_297 = arith.index_cast %parallel_loop3A_66 : i32 to index
      %parallel_loop3A_298 = arith.constant 32 : index
      %parallel_loop3A_299 = tpu.vector_load %arg13[%parallel_loop3A_297, %parallel_loop3A_298] {strides = array<i32>} : memref<64x512xf32, #tpu.memory_space<vmem>>, vector<16xf32>,
      tpu.vector_store %arg13[%parallel_loop3A_297, %parallel_loop3A_298], %parallel_loop3A_296 {strides = array<i32>} : memref<64x512xf32, #tpu.memory_space<vmem>>, vector<16xf32>,
      %parallel_loop3A_300 = arith.mulf %parallel_loop3A_100, %parallel_loop3A_287 : vector<16xf32>
      %parallel_loop3A_301 = arith.index_cast %parallel_loop3A_66 : i32 to index
      %parallel_loop3A_302 = arith.constant 48 : index
      %parallel_loop3A_303 = tpu.vector_load %arg13[%parallel_loop3A_301, %parallel_loop3A_302] {strides = array<i32>} : memref<64x512xf32, #tpu.memory_space<vmem>>, vector<16xf32>,
      tpu.vector_store %arg13[%parallel_loop3A_301, %parallel_loop3A_302], %parallel_loop3A_300 {strides = array<i32>} : memref<64x512xf32, #tpu.memory_space<vmem>>, vector<16xf32>,
      %parallel_loop3A_304 = arith.mulf %parallel_loop3A_105, %parallel_loop3A_287 : vector<16xf32>
      %parallel_loop3A_305 = arith.index_cast %parallel_loop3A_66 : i32 to index
      %parallel_loop3A_306 = arith.constant 64 : index
      %parallel_loop3A_307 = tpu.vector_load %arg13[%parallel_loop3A_305, %parallel_loop3A_306] {strides = array<i32>} : memref<64x512xf32, #tpu.memory_space<vmem>>, vector<16xf32>,
      tpu.vector_store %arg13[%parallel_loop3A_305, %parallel_loop3A_306], %parallel_loop3A_304 {strides = array<i32>} : memref<64x512xf32, #tpu.memory_space<vmem>>, vector<16xf32>,
      %parallel_loop3A_308 = arith.mulf %parallel_loop3A_110, %parallel_loop3A_287 : vector<16xf32>
      %parallel_loop3A_309 = arith.index_cast %parallel_loop3A_66 : i32 to index
      %parallel_loop3A_310 = arith.constant 80 : index
      %parallel_loop3A_311 = tpu.vector_load %arg13[%parallel_loop3A_309, %parallel_loop3A_310] {strides = array<i32>} : memref<64x512xf32, #tpu.memory_space<vmem>>, vector<16xf32>,
      tpu.vector_store %arg13[%parallel_loop3A_309, %parallel_loop3A_310], %parallel_loop3A_308 {strides = array<i32>} : memref<64x512xf32, #tpu.memory_space<vmem>>, vector<16xf32>,
      %parallel_loop3A_312 = arith.mulf %parallel_loop3A_115, %parallel_loop3A_287 : vector<16xf32>
      %parallel_loop3A_313 = arith.index_cast %parallel_loop3A_66 : i32 to index
      %parallel_loop3A_314 = arith.constant 96 : index
      %parallel_loop3A_315 = tpu.vector_load %arg13[%parallel_loop3A_313, %parallel_loop3A_314] {strides = array<i32>} : memref<64x512xf32, #tpu.memory_space<vmem>>, vector<16xf32>,
      tpu.vector_store %arg13[%parallel_loop3A_313, %parallel_loop3A_314], %parallel_loop3A_312 {strides = array<i32>} : memref<64x512xf32, #tpu.memory_space<vmem>>, vector<16xf32>,
      %parallel_loop3A_316 = arith.mulf %parallel_loop3A_120, %parallel_loop3A_287 : vector<16xf32>
      %parallel_loop3A_317 = arith.index_cast %parallel_loop3A_66 : i32 to index
      %parallel_loop3A_318 = arith.constant 112 : index
      %parallel_loop3A_319 = tpu.vector_load %arg13[%parallel_loop3A_317, %parallel_loop3A_318] {strides = array<i32>} : memref<64x512xf32, #tpu.memory_space<vmem>>, vector<16xf32>,
      tpu.vector_store %arg13[%parallel_loop3A_317, %parallel_loop3A_318], %parallel_loop3A_316 {strides = array<i32>} : memref<64x512xf32, #tpu.memory_space<vmem>>, vector<16xf32>,
      %parallel_loop3A_320 = arith.mulf %parallel_loop3A_125, %parallel_loop3A_287 : vector<16xf32>
      %parallel_loop3A_321 = arith.index_cast %parallel_loop3A_66 : i32 to index
      %parallel_loop3A_322 = arith.constant 128 : index
      %parallel_loop3A_323 = tpu.vector_load %arg13[%parallel_loop3A_321, %parallel_loop3A_322] {strides = array<i32>} : memref<64x512xf32, #tpu.memory_space<vmem>>, vector<16xf32>,
      tpu.vector_store %arg13[%parallel_loop3A_321, %parallel_loop3A_322], %parallel_loop3A_320 {strides = array<i32>} : memref<64x512xf32, #tpu.memory_space<vmem>>, vector<16xf32>,
      %parallel_loop3A_324 = arith.mulf %parallel_loop3A_130, %parallel_loop3A_287 : vector<16xf32>
      %parallel_loop3A_325 = arith.index_cast %parallel_loop3A_66 : i32 to index
      %parallel_loop3A_326 = arith.constant 144 : index
      %parallel_loop3A_327 = tpu.vector_load %arg13[%parallel_loop3A_325, %parallel_loop3A_326] {strides = array<i32>} : memref<64x512xf32, #tpu.memory_space<vmem>>, vector<16xf32>,
      tpu.vector_store %arg13[%parallel_loop3A_325, %parallel_loop3A_326], %parallel_loop3A_324 {strides = array<i32>} : memref<64x512xf32, #tpu.memory_space<vmem>>, vector<16xf32>,
      %parallel_loop3A_328 = arith.mulf %parallel_loop3A_135, %parallel_loop3A_287 : vector<16xf32>
      %parallel_loop3A_329 = arith.index_cast %parallel_loop3A_66 : i32 to index
      %parallel_loop3A_330 = arith.constant 160 : index
      %parallel_loop3A_331 = tpu.vector_load %arg13[%parallel_loop3A_329, %parallel_loop3A_330] {strides = array<i32>} : memref<64x512xf32, #tpu.memory_space<vmem>>, vector<16xf32>,
      tpu.vector_store %arg13[%parallel_loop3A_329, %parallel_loop3A_330], %parallel_loop3A_328 {strides = array<i32>} : memref<64x512xf32, #tpu.memory_space<vmem>>, vector<16xf32>,
      %parallel_loop3A_332 = arith.mulf %parallel_loop3A_140, %parallel_loop3A_287 : vector<16xf32>
      %parallel_loop3A_333 = arith.index_cast %parallel_loop3A_66 : i32 to index
      %parallel_loop3A_334 = arith.constant 176 : index
      %parallel_loop3A_335 = tpu.vector_load %arg13[%parallel_loop3A_333, %parallel_loop3A_334] {strides = array<i32>} : memref<64x512xf32, #tpu.memory_space<vmem>>, vector<16xf32>,
      tpu.vector_store %arg13[%parallel_loop3A_333, %parallel_loop3A_334], %parallel_loop3A_332 {strides = array<i32>} : memref<64x512xf32, #tpu.memory_space<vmem>>, vector<16xf32>,
      %parallel_loop3A_336 = arith.mulf %parallel_loop3A_145, %parallel_loop3A_287 : vector<16xf32>
      %parallel_loop3A_337 = arith.index_cast %parallel_loop3A_66 : i32 to index
      %parallel_loop3A_338 = arith.constant 192 : index
      %parallel_loop3A_339 = tpu.vector_load %arg13[%parallel_loop3A_337, %parallel_loop3A_338] {strides = array<i32>} : memref<64x512xf32, #tpu.memory_space<vmem>>, vector<16xf32>,
      tpu.vector_store %arg13[%parallel_loop3A_337, %parallel_loop3A_338], %parallel_loop3A_336 {strides = array<i32>} : memref<64x512xf32, #tpu.memory_space<vmem>>, vector<16xf32>,
      %parallel_loop3A_340 = arith.mulf %parallel_loop3A_150, %parallel_loop3A_287 : vector<16xf32>
      %parallel_loop3A_341 = arith.index_cast %parallel_loop3A_66 : i32 to index
      %parallel_loop3A_342 = arith.constant 208 : index
      %parallel_loop3A_343 = tpu.vector_load %arg13[%parallel_loop3A_341, %parallel_loop3A_342] {strides = array<i32>} : memref<64x512xf32, #tpu.memory_space<vmem>>, vector<16xf32>,
      tpu.vector_store %arg13[%parallel_loop3A_341, %parallel_loop3A_342], %parallel_loop3A_340 {strides = array<i32>} : memref<64x512xf32, #tpu.memory_space<vmem>>, vector<16xf32>,
      %parallel_loop3A_344 = arith.mulf %parallel_loop3A_155, %parallel_loop3A_287 : vector<16xf32>
      %parallel_loop3A_345 = arith.index_cast %parallel_loop3A_66 : i32 to index
      %parallel_loop3A_346 = arith.constant 224 : index
      %parallel_loop3A_347 = tpu.vector_load %arg13[%parallel_loop3A_345, %parallel_loop3A_346] {strides = array<i32>} : memref<64x512xf32, #tpu.memory_space<vmem>>, vector<16xf32>,
      tpu.vector_store %arg13[%parallel_loop3A_345, %parallel_loop3A_346], %parallel_loop3A_344 {strides = array<i32>} : memref<64x512xf32, #tpu.memory_space<vmem>>, vector<16xf32>,
      %parallel_loop3A_348 = arith.mulf %parallel_loop3A_160, %parallel_loop3A_287 : vector<16xf32>
      %parallel_loop3A_349 = arith.index_cast %parallel_loop3A_66 : i32 to index
      %parallel_loop3A_350 = arith.constant 240 : index
      %parallel_loop3A_351 = tpu.vector_load %arg13[%parallel_loop3A_349, %parallel_loop3A_350] {strides = array<i32>} : memref<64x512xf32, #tpu.memory_space<vmem>>, vector<16xf32>,
      tpu.vector_store %arg13[%parallel_loop3A_349, %parallel_loop3A_350], %parallel_loop3A_348 {strides = array<i32>} : memref<64x512xf32, #tpu.memory_space<vmem>>, vector<16xf32>,
      %parallel_loop3A_352 = arith.mulf %parallel_loop3A_165, %parallel_loop3A_287 : vector<16xf32>
      %parallel_loop3A_353 = arith.index_cast %parallel_loop3A_66 : i32 to index
      %parallel_loop3A_354 = arith.constant 256 : index
      %parallel_loop3A_355 = tpu.vector_load %arg13[%parallel_loop3A_353, %parallel_loop3A_354] {strides = array<i32>} : memref<64x512xf32, #tpu.memory_space<vmem>>, vector<16xf32>,
      tpu.vector_store %arg13[%parallel_loop3A_353, %parallel_loop3A_354], %parallel_loop3A_352 {strides = array<i32>} : memref<64x512xf32, #tpu.memory_space<vmem>>, vector<16xf32>,
      %parallel_loop3A_356 = arith.mulf %parallel_loop3A_170, %parallel_loop3A_287 : vector<16xf32>
      %parallel_loop3A_357 = arith.index_cast %parallel_loop3A_66 : i32 to index
      %parallel_loop3A_358 = arith.constant 272 : index
      %parallel_loop3A_359 = tpu.vector_load %arg13[%parallel_loop3A_357, %parallel_loop3A_358] {strides = array<i32>} : memref<64x512xf32, #tpu.memory_space<vmem>>, vector<16xf32>,
      tpu.vector_store %arg13[%parallel_loop3A_357, %parallel_loop3A_358], %parallel_loop3A_356 {strides = array<i32>} : memref<64x512xf32, #tpu.memory_space<vmem>>, vector<16xf32>,
      %parallel_loop3A_360 = arith.mulf %parallel_loop3A_175, %parallel_loop3A_287 : vector<16xf32>
      %parallel_loop3A_361 = arith.index_cast %parallel_loop3A_66 : i32 to index
      %parallel_loop3A_362 = arith.constant 288 : index
      %parallel_loop3A_363 = tpu.vector_load %arg13[%parallel_loop3A_361, %parallel_loop3A_362] {strides = array<i32>} : memref<64x512xf32, #tpu.memory_space<vmem>>, vector<16xf32>,
      tpu.vector_store %arg13[%parallel_loop3A_361, %parallel_loop3A_362], %parallel_loop3A_360 {strides = array<i32>} : memref<64x512xf32, #tpu.memory_space<vmem>>, vector<16xf32>,
      %parallel_loop3A_364 = arith.mulf %parallel_loop3A_180, %parallel_loop3A_287 : vector<16xf32>
      %parallel_loop3A_365 = arith.index_cast %parallel_loop3A_66 : i32 to index
      %parallel_loop3A_366 = arith.constant 304 : index
      %parallel_loop3A_367 = tpu.vector_load %arg13[%parallel_loop3A_365, %parallel_loop3A_366] {strides = array<i32>} : memref<64x512xf32, #tpu.memory_space<vmem>>, vector<16xf32>,
      tpu.vector_store %arg13[%parallel_loop3A_365, %parallel_loop3A_366], %parallel_loop3A_364 {strides = array<i32>} : memref<64x512xf32, #tpu.memory_space<vmem>>, vector<16xf32>,
      %parallel_loop3A_368 = arith.mulf %parallel_loop3A_185, %parallel_loop3A_287 : vector<16xf32>
      %parallel_loop3A_369 = arith.index_cast %parallel_loop3A_66 : i32 to index
      %parallel_loop3A_370 = arith.constant 320 : index
      %parallel_loop3A_371 = tpu.vector_load %arg13[%parallel_loop3A_369, %parallel_loop3A_370] {strides = array<i32>} : memref<64x512xf32, #tpu.memory_space<vmem>>, vector<16xf32>,
      tpu.vector_store %arg13[%parallel_loop3A_369, %parallel_loop3A_370], %parallel_loop3A_368 {strides = array<i32>} : memref<64x512xf32, #tpu.memory_space<vmem>>, vector<16xf32>,
      %parallel_loop3A_372 = arith.mulf %parallel_loop3A_190, %parallel_loop3A_287 : vector<16xf32>
      %parallel_loop3A_373 = arith.index_cast %parallel_loop3A_66 : i32 to index
      %parallel_loop3A_374 = arith.constant 336 : index
      %parallel_loop3A_375 = tpu.vector_load %arg13[%parallel_loop3A_373, %parallel_loop3A_374] {strides = array<i32>} : memref<64x512xf32, #tpu.memory_space<vmem>>, vector<16xf32>,
      tpu.vector_store %arg13[%parallel_loop3A_373, %parallel_loop3A_374], %parallel_loop3A_372 {strides = array<i32>} : memref<64x512xf32, #tpu.memory_space<vmem>>, vector<16xf32>,
      %parallel_loop3A_376 = arith.mulf %parallel_loop3A_195, %parallel_loop3A_287 : vector<16xf32>
      %parallel_loop3A_377 = arith.index_cast %parallel_loop3A_66 : i32 to index
      %parallel_loop3A_378 = arith.constant 352 : index
      %parallel_loop3A_379 = tpu.vector_load %arg13[%parallel_loop3A_377, %parallel_loop3A_378] {strides = array<i32>} : memref<64x512xf32, #tpu.memory_space<vmem>>, vector<16xf32>,
      tpu.vector_store %arg13[%parallel_loop3A_377, %parallel_loop3A_378], %parallel_loop3A_376 {strides = array<i32>} : memref<64x512xf32, #tpu.memory_space<vmem>>, vector<16xf32>,
      %parallel_loop3A_380 = arith.mulf %parallel_loop3A_200, %parallel_loop3A_287 : vector<16xf32>
      %parallel_loop3A_381 = arith.index_cast %parallel_loop3A_66 : i32 to index
      %parallel_loop3A_382 = arith.constant 368 : index
      %parallel_loop3A_383 = tpu.vector_load %arg13[%parallel_loop3A_381, %parallel_loop3A_382] {strides = array<i32>} : memref<64x512xf32, #tpu.memory_space<vmem>>, vector<16xf32>,
      tpu.vector_store %arg13[%parallel_loop3A_381, %parallel_loop3A_382], %parallel_loop3A_380 {strides = array<i32>} : memref<64x512xf32, #tpu.memory_space<vmem>>, vector<16xf32>,
      %parallel_loop3A_384 = arith.mulf %parallel_loop3A_205, %parallel_loop3A_287 : vector<16xf32>
      %parallel_loop3A_385 = arith.index_cast %parallel_loop3A_66 : i32 to index
      %parallel_loop3A_386 = arith.constant 384 : index
      %parallel_loop3A_387 = tpu.vector_load %arg13[%parallel_loop3A_385, %parallel_loop3A_386] {strides = array<i32>} : memref<64x512xf32, #tpu.memory_space<vmem>>, vector<16xf32>,
      tpu.vector_store %arg13[%parallel_loop3A_385, %parallel_loop3A_386], %parallel_loop3A_384 {strides = array<i32>} : memref<64x512xf32, #tpu.memory_space<vmem>>, vector<16xf32>,
      %parallel_loop3A_388 = arith.mulf %parallel_loop3A_210, %parallel_loop3A_287 : vector<16xf32>
      %parallel_loop3A_389 = arith.index_cast %parallel_loop3A_66 : i32 to index
      %parallel_loop3A_390 = arith.constant 400 : index
      %parallel_loop3A_391 = tpu.vector_load %arg13[%parallel_loop3A_389, %parallel_loop3A_390] {strides = array<i32>} : memref<64x512xf32, #tpu.memory_space<vmem>>, vector<16xf32>,
      tpu.vector_store %arg13[%parallel_loop3A_389, %parallel_loop3A_390], %parallel_loop3A_388 {strides = array<i32>} : memref<64x512xf32, #tpu.memory_space<vmem>>, vector<16xf32>,
      %parallel_loop3A_392 = arith.mulf %parallel_loop3A_215, %parallel_loop3A_287 : vector<16xf32>
      %parallel_loop3A_393 = arith.index_cast %parallel_loop3A_66 : i32 to index
      %parallel_loop3A_394 = arith.constant 416 : index
      %parallel_loop3A_395 = tpu.vector_load %arg13[%parallel_loop3A_393, %parallel_loop3A_394] {strides = array<i32>} : memref<64x512xf32, #tpu.memory_space<vmem>>, vector<16xf32>,
      tpu.vector_store %arg13[%parallel_loop3A_393, %parallel_loop3A_394], %parallel_loop3A_392 {strides = array<i32>} : memref<64x512xf32, #tpu.memory_space<vmem>>, vector<16xf32>,
      %parallel_loop3A_396 = arith.mulf %parallel_loop3A_220, %parallel_loop3A_287 : vector<16xf32>
      %parallel_loop3A_397 = arith.index_cast %parallel_loop3A_66 : i32 to index
      %parallel_loop3A_398 = arith.constant 432 : index
      %parallel_loop3A_399 = tpu.vector_load %arg13[%parallel_loop3A_397, %parallel_loop3A_398] {strides = array<i32>} : memref<64x512xf32, #tpu.memory_space<vmem>>, vector<16xf32>,
      tpu.vector_store %arg13[%parallel_loop3A_397, %parallel_loop3A_398], %parallel_loop3A_396 {strides = array<i32>} : memref<64x512xf32, #tpu.memory_space<vmem>>, vector<16xf32>,
      %parallel_loop3A_400 = arith.mulf %parallel_loop3A_225, %parallel_loop3A_287 : vector<16xf32>
      %parallel_loop3A_401 = arith.index_cast %parallel_loop3A_66 : i32 to index
      %parallel_loop3A_402 = arith.constant 448 : index
      %parallel_loop3A_403 = tpu.vector_load %arg13[%parallel_loop3A_401, %parallel_loop3A_402] {strides = array<i32>} : memref<64x512xf32, #tpu.memory_space<vmem>>, vector<16xf32>,
      tpu.vector_store %arg13[%parallel_loop3A_401, %parallel_loop3A_402], %parallel_loop3A_400 {strides = array<i32>} : memref<64x512xf32, #tpu.memory_space<vmem>>, vector<16xf32>,
      %parallel_loop3A_404 = arith.mulf %parallel_loop3A_230, %parallel_loop3A_287 : vector<16xf32>
      %parallel_loop3A_405 = arith.index_cast %parallel_loop3A_66 : i32 to index
      %parallel_loop3A_406 = arith.constant 464 : index
      %parallel_loop3A_407 = tpu.vector_load %arg13[%parallel_loop3A_405, %parallel_loop3A_406] {strides = array<i32>} : memref<64x512xf32, #tpu.memory_space<vmem>>, vector<16xf32>,
      tpu.vector_store %arg13[%parallel_loop3A_405, %parallel_loop3A_406], %parallel_loop3A_404 {strides = array<i32>} : memref<64x512xf32, #tpu.memory_space<vmem>>, vector<16xf32>,
      %parallel_loop3A_408 = arith.mulf %parallel_loop3A_235, %parallel_loop3A_287 : vector<16xf32>
      %parallel_loop3A_409 = arith.index_cast %parallel_loop3A_66 : i32 to index
      %parallel_loop3A_410 = arith.constant 480 : index
      %parallel_loop3A_411 = tpu.vector_load %arg13[%parallel_loop3A_409, %parallel_loop3A_410] {strides = array<i32>} : memref<64x512xf32, #tpu.memory_space<vmem>>, vector<16xf32>,
      tpu.vector_store %arg13[%parallel_loop3A_409, %parallel_loop3A_410], %parallel_loop3A_408 {strides = array<i32>} : memref<64x512xf32, #tpu.memory_space<vmem>>, vector<16xf32>,
      %parallel_loop3A_412 = arith.mulf %parallel_loop3A_240, %parallel_loop3A_287 : vector<16xf32>
      %parallel_loop3A_413 = arith.index_cast %parallel_loop3A_66 : i32 to index
      %parallel_loop3A_414 = arith.constant 496 : index
      %parallel_loop3A_415 = tpu.vector_load %arg13[%parallel_loop3A_413, %parallel_loop3A_414] {strides = array<i32>} : memref<64x512xf32, #tpu.memory_space<vmem>>, vector<16xf32>,
      tpu.vector_store %arg13[%parallel_loop3A_413, %parallel_loop3A_414], %parallel_loop3A_412 {strides = array<i32>} : memref<64x512xf32, #tpu.memory_space<vmem>>, vector<16xf32>,
    } {sc.loop_unroll_factor = 1 : i64, sc.parallel_access}
    %mul3A_64 = arith.constant 64 : i32
    %mul3A_65 = arith.muli %add3A, %mul3A_64 : i32
    "tpu.region"() ({
      %run_scoped3A = tpu.sem_alloc : memref<!tpu.dma_semaphore, #tpu.memory_space<semaphore_mem>>
      %dma_start3A_66 = arith.constant 0 : i32
      %dma_start3A_67 = tpu.memref_slice %arg5[%mul3A_65, %dma_start3A_66] : memref<2048x512xf32, #tpu.memory_space<hbm>> -> memref<64x512xf32, #tpu.memory_space<hbm>>
      %dma_start3A_68 = arith.constant 0 : i32
      %dma_start3A_69 = tpu.memref_slice %arg5[%mul3A_65, %dma_start3A_68] : memref<2048x512xf32, #tpu.memory_space<hbm>> -> memref<64x512xf32, #tpu.memory_space<hbm>>
      tpu.enqueue_dma source(%arg13 : memref<64x512xf32, #tpu.memory_space<vmem>>) target(%dma_start3A_69 : memref<64x512xf32, #tpu.memory_space<hbm>>) target_semaphore(%run_scoped3A : memref<!tpu.dma_semaphore, #tpu.memory_space<semaphore_mem>>)
      %dma_wait3A_70 = arith.constant 0 : i32
      %dma_wait3A_71 = tpu.memref_slice %arg5[%mul3A_65, %dma_wait3A_70] : memref<2048x512xf32, #tpu.memory_space<hbm>> -> memref<64x512xf32, #tpu.memory_space<hbm>>
      %dma_wait3A_72 = arith.constant 0 : i32
      %dma_wait3A_73 = tpu.memref_slice %arg5[%mul3A_65, %dma_wait3A_72] : memref<2048x512xf32, #tpu.memory_space<hbm>> -> memref<64x512xf32, #tpu.memory_space<hbm>>
      tpu.wait_dma2 semaphore(%run_scoped3A : memref<!tpu.dma_semaphore, #tpu.memory_space<semaphore_mem>>) src(%arg13 : memref<64x512xf32, #tpu.memory_space<vmem>>) dst(%dma_wait3A_73 : memref<64x512xf32, #tpu.memory_space<hbm>>)
      tpu.yield
    }) : () -> ()
    return
  }
}

</mosaic_0001>

<sc_bundles>
// kernel: _sc_split_norm.3.cloned.1.call-start
scs
__scs_entry_jumppad:
0x0: {  	(pc) =	sbr.rel $0x88, $3  }
0x1: {  	(tag) =	ssettag $0x0;
	lr =	simm.s32 $0x1  }
0x2: {  	[smem:$0x3F9E] =	sst lr;
	_ =	strace $0xD0000000  }
0x3: {  	_ = 	snop  }
0x4: {  	_ = 	snop  }
0x5: {  	_ = 	snop  }
0x6: {  	_ = 	snop  }
0x7: {  	_ = 	snop  }
__scs_overlays_trampoline_lowered:
0x8: {  	[smem:$0x3FAD] =	sst s0  }
0x9: {  	[smem:$0x3FAE] =	sst s1  }
0xa: {  	[smem:$0x3FAF] =	sst s2  }
0xb: {  	[smem:$0x3FB0] =	sst s3  }
0xc: {  	[smem:$0x3FB1] =	sst s4  }
0xd: {  	[smem:$0x3FB2] =	sst s5  }
0xe: {  	[smem:$0x3FB3] =	sst s6  }
0xf: {  	[smem:$0x3FB4] =	sst s7  }
0x10: {  	[smem:$0x3FB5] =	sst s8  }
0x11: {  	[smem:$0x3FB6] =	sst s9;
	s0 =	simm.s32 @!p0 $0x0  }
0x12: {  	s1 =	sld [smem:$0x3F9C];
	s0 =	simm.s32 @p0 $0x1  }
0x13: {  	[smem:$0x3FB7] =	sst s0;
	s0 =	simm.s32 @!p1 $0x0  }
0x14: {  	s2 =	sld [smem:$0x3F9B];
	s0 =	simm.s32 @p1 $0x1  }
0x15: {  	[smem:$0x3FB8] =	sst s0;
	s0 =	simm.s32 @!p2 $0x0  }
0x16: {  	s3 =	sld [smem:$0x3FDB];
	s0 =	simm.s32 @p2 $0x1  }
0x17: {  	s4 =	simm.s32 $0x1BF5;
	[smem:$0x3FBA] =	sst s0  }
0x18: {  	s0 =	sld [smem:$0x3F9D];
	_ =	swait.ge [sflag:s4], $0x0  }
0x19: {  	s7 =	sld [smem:$0x3F9E]  }
0x1a: {  	s8 =	sadd.s32 $0xFFFFE003, lr  }
0x1b: {  	s9 =	sadd.s32 $0xFFFFFEF7, lr;
	s5 =	simm.s32 $0xFFFFFFFF;
	p2 =	slt.u32 s8, $0xFFFFF086  }
0x1c: {  	p1 =	slt.u32 s9, $0xF7A;
	s5 =	simm.s32 @!p2 $0x0  }
0x1d: {  	s5 =	simm.s32 @p1 $0x1;
	p0 =	seq.s32 s7, s2  }
0x1e: {  	s7 =	smul.u32 @!p0 $0xF7A, s2;
	p2 =	seq.s32 @!p0 s5, $0x0  }
0x1f: {  	s9 =	smul.u32 $0xF7A, s1;
	s8 =	simm.s32 @!p0 $0x1BF5;
	p2 =	por !p2, p0  }
0x20: {  	[sflag:s8] =	ssyncset.s32 @!p0 $0xFFFFF086;
	s6 =	sadd.s32 @!p0 s3, s7;
	s7 =	simm.s32 @!p0 $0x108  }
0x21: {  	s3 =	sadd.s32 s3, s9;
	s6 =	sadd.s32 @!p0 $0x88, s6;
	s7 =	simm.s32 @p2 $0x1082  }
0x22: {  	[simem:s7], [sflag:s8] =	dma.local @!p0 [hbm:s6], $0xF7A  }
0x23: {  	s9 =	sor.u32 $0xD0000000, s2;
	s6 =	simm.s32 $0x108;
	_ =	swait.ge @!p0 [sflag:s8], $0x0  }
0x24: {  	s3 =	sadd.s32 $0x88, s3;
	s6 =	simm.s32 @!p1 $0x1082;
	[sflag:s4] =	ssyncset.s32 $0xFFFFF086  }
0x25: {  	[simem:s6], [sflag:s4] =	dma.local [hbm:s3], $0xF7A  }
0x26: {  	[smem:$0x3F9E] =	sst s1;
	(tag) =	ssettag s2;
	_ =	strace s9  }
0x27: {  	s1 =	sld [smem:$0x3FAE]  }
0x28: {  	s2 =	sld [smem:$0x3FAF]  }
0x29: {  	s4 =	sld [smem:$0x3FB1]  }
0x2a: {  	p0 =	seq.s32 s5, $0x0;
	s5 =	sld [smem:$0x3FB2]  }
0x2b: {  	s6 =	sld [smem:$0x3FB3]  }
0x2c: {  	s7 =	sld [smem:$0x3FB4]  }
0x2d: {  	s3 =	simm.s32 $0x108;
	s8 =	sld [smem:$0x3FB5]  }
0x2e: {  	s3 =	simm.s32 @!p0 $0x1082;
	s9 =	sld [smem:$0x3FB6]  }
0x2f: {  	lr =	sadd.s32 s0, s3;
	s0 =	sld [smem:$0x3FAD]  }
0x30: {  	s3 =	sld [smem:$0x3FB0]  }
0x31: {  	[smem:$0x3FB9] =	sst s10  }
0x32: {  	s10 =	sld [smem:$0x3FB7];
	_ =	sdelay $0x3  }
0x33: {  	p0 =	seq.s32 s10, $0x1;
	s10 =	sld [smem:$0x3FB9];
	_ =	sdelay $0x3  }
0x34: {  	[smem:$0x3FB9] =	sst s10  }
0x35: {  	s10 =	sld [smem:$0x3FB8];
	_ =	sdelay $0x3  }
0x36: {  	p1 =	seq.s32 s10, $0x1;
	s10 =	sld [smem:$0x3FB9];
	_ =	sdelay $0x3  }
0x37: {  	[smem:$0x3FB9] =	sst s10  }
0x38: {  	s10 =	sld [smem:$0x3FBA]  }
0x39: {  	_ = 	snop;
	(pc) =	sbr.ind lr, $3  }
0x3a: {  	_ = 	snop  }
0x3b: {  	_ = 	snop  }
0x3c: {  	p2 =	seq.s32 s10, $0x1;
	s10 =	sld [smem:$0x3FB9]  }
0x3d: {  	_ =	shalt  }
0x3e: {  	_ =	shalt  }
0x3f: {  	_ =	shalt  }
0x40: {  	_ =	shalt  }
0x41: {  	_ =	shalt  }
0x42: {  	_ =	shalt  }
0x43: {  	_ =	shalt  }
0x44: {  	_ =	shalt  }
0x45: {  	_ =	shalt  }
0x46: {  	_ =	shalt  }
0x47: {  	_ =	shalt  }
0x48: {  	_ =	shalt  }
0x49: {  	_ =	shalt  }
0x4a: {  	_ =	shalt  }
0x4b: {  	_ =	shalt  }
0x4c: {  	_ =	shalt  }
0x4d: {  	_ =	shalt  }
0x4e: {  	_ =	shalt  }
0x4f: {  	_ =	shalt  }
0x50: {  	_ =	shalt  }
0x51: {  	_ =	shalt  }
0x52: {  	_ =	shalt  }
0x53: {  	_ =	shalt  }
0x54: {  	_ =	shalt  }
0x55: {  	_ =	shalt  }
0x56: {  	_ =	shalt  }
0x57: {  	_ =	shalt  }
0x58: {  	_ =	shalt  }
0x59: {  	_ =	shalt  }
0x5a: {  	_ =	shalt  }
0x5b: {  	_ =	shalt  }
0x5c: {  	_ =	shalt  }
0x5d: {  	_ =	shalt  }
0x5e: {  	_ =	shalt  }
0x5f: {  	_ =	shalt  }
0x60: {  	_ =	shalt  }
0x61: {  	_ =	shalt  }
0x62: {  	_ =	shalt  }
0x63: {  	_ =	shalt  }
0x64: {  	_ =	shalt  }
0x65: {  	_ =	shalt  }
0x66: {  	_ =	shalt  }
0x67: {  	_ =	shalt  }
0x68: {  	_ =	shalt  }
0x69: {  	_ =	shalt  }
0x6a: {  	_ =	shalt  }
0x6b: {  	_ =	shalt  }
0x6c: {  	_ =	shalt  }
0x6d: {  	_ =	shalt  }
0x6e: {  	_ =	shalt  }
0x6f: {  	_ =	shalt  }
0x70: {  	_ =	shalt  }
0x71: {  	_ =	shalt  }
0x72: {  	_ =	shalt  }
0x73: {  	_ =	shalt  }
0x74: {  	_ =	shalt  }
0x75: {  	_ =	shalt  }
0x76: {  	_ =	shalt  }
0x77: {  	_ =	shalt  }
0x78: {  	_ =	shalt  }
0x79: {  	_ =	shalt  }
0x7a: {  	_ =	shalt  }
0x7b: {  	_ =	shalt  }
0x7c: {  	_ =	shalt  }
0x7d: {  	_ =	shalt  }
0x7e: {  	_ =	shalt  }
0x7f: {  	_ =	shalt  }
0x80: {  	_ =	shalt  }
0x81: {  	_ =	shalt  }
0x82: {  	_ =	shalt  }
0x83: {  	_ =	shalt  }
0x84: {  	_ =	shalt  }
0x85: {  	_ =	shalt  }
0x86: {  	_ =	shalt  }
0x87: {  	_ =	shalt  }
.Lfunc_end0:
.L_simem_size_0:
called_computation_lowered:
.L_overlay_start_0:
0x88: {  	s2 =	sld [smem:$0x3FD9]  }
0x89: {  	s3 =	sld [smem:$0x3FFE];
	_ =	sdelay $0x1  }
0x8a: {  	s1 =	srdreg.scid  }
0x8b: {  	s0 =	sand.u32 $0x1, s1  }
0x8c: {  	s15 =	sshll.u32 s0, $0xA;
	s2 =	sadd.s32 s3, s2  }
0x8d: {  	s2 =	sadd.s32 s2, s15  }
0x8e: {  	[smem:$0x3FC5] =	sst s2  }
0x8f: {  	_ = 	snop  }
0x90: {  	s2 =	sld [smem:$0x3FD0]  }
0x91: {  	s16 =	sld [smem:$0x3FC9]  }
0x92: {  	s4 =	sld [smem:$0x3FC8]  }
0x93: {  	s6 =	simm.s32 $0xA;
	s7 =	simm.s32 $0x10;
	s5 =	sld [smem:$0x3FC7]  }
0x94: {  	[smem:s7], [sflag:s6] =	dma.local [hbm:s2], $0x1  }
0x95: {  	_ =	swait.eq [sflag:s6], $0x1  }
0x96: {  	s17 =	sld [smem:$0x10];
	[sflag:s6] =	ssyncset.done $0x0  }
0x97: {  	s18 =	sld [smem:$0x11];
	[sflag:s6] =	ssyncadd.s32 $0xFFFFFFFF  }
0x98: {  	s19 =	sld [smem:$0x12];
	(tm) =	ssettm $0x1  }
0x99: {  	s8 =	sld [smem:$0x3FFB];
	_ =	sdelay $0x3  }
0x9a: {  	_ =	strace s8  }
0x9b: {  	s8 =	sld [smem:$0x3FFC];
	_ =	sdelay $0x3  }
0x9c: {  	_ =	strace s8  }
0x9d: {  	s8 =	sld [smem:$0x3FFD];
	_ =	sdelay $0x3  }
0x9e: {  	_ =	strace s8  }
0x9f: {  	_ =	strace $0x8FFFFFFF  }
0xa0: {  	s20 =	sld [smem:$0x3FDB];
	_ =	sdelay $0x1  }
0xa1: {  	s9 =	simm.s32 $_scs_section_size  }
0xa2: {  	s10 =	simm.s32 $_size__tile_overlayer_lowered;
	s11 =	simm.s32 $_tile_overlayer_lowered  }
0xa3: {  	s23 =	simm.s32 $0x1BFF;
	s22 =	sshll.u32 s11, $0x1;
	s8 =	sadd.s32 s9, s20  }
0xa4: {  	s12 =	simm.s32 $0x0;
	s21 =	sshll.u32 s10, $0x1;
	s10 =	sadd.s32 s22, s8  }
0xa5: {  	[timem:s12], [sflag:s23] =	dma.local [hbm:s10], s21  }
0xa6: {  	_ =	swait.ge [sflag:s23], s21  }
0xa7: {  	s9 =	ssub.s32 $0x0, s21;
	[sflag:s23] =	ssyncset.done $0x0  }
0xa8: {  	[sflag:s23] =	ssyncadd.s32 s9;
	_ =	sdelay $0x1  }
0xa9: {  	s24 =	simm.s32 $0x1B8B  }
0xaa: {  	_ =	swait.ge [sflag:s24], $0x1  }
0xab: {  	[sflag:s24] =	ssyncset.done $0x0  }
0xac: {  	s25 =	simm.s32 $0x1B8E;
	[sflag:s24] =	ssyncadd.s32 $0xFFFFFFFF  }
0xad: {  	s26 =	simm.s32 $execute0_lowered;
	[smem:$0x3FD2] =	sst s25  }
0xae: {  	s9 =	sshll.u32 s26, $0x1;
	_ =	strace $0x80000046;
	[dreg:$0x1] =	wrdreg $0xFFFFFFFF  }
0xaf: {  	s28 =	simm.s32 $_size_execute0_lowered;
	s8 =	sadd.s32 s8, s9;
	[dreg:$0x0] =	wrdreg $0x0  }
0xb0: {  	s9 =	sshll.u32 s28, $0x1;
	[dreg:$0x2] =	wrdreg s8  }
0xb1: {  	[dreg:$0x3] =	wrdreg s9  }
0xb2: {  	[dreg:$0x4] =	wrdreg $0xC0  }
0xb3: {  	_ =	task [dreg:s12], $0x5FFFF  }
0xb4: {  	[dreg:$0x1] =	wrdreg $0xFFFFFFFF  }
0xb5: {  	[dreg:$0x0] =	wrdreg $0x60  }
0xb6: {  	[dreg:$0x2] =	wrdreg s16  }
0xb7: {  	[dreg:$0x3] =	wrdreg s4  }
0xb8: {  	[dreg:$0x4] =	wrdreg s5  }
0xb9: {  	[dreg:$0x5] =	wrdreg s17  }
0xba: {  	[dreg:$0x6] =	wrdreg s18  }
0xbb: {  	[dreg:$0x7] =	wrdreg s19  }
0xbc: {  	[dreg:$0x8] =	wrdreg $0x9  }
0xbd: {  	_ =	task.clear_ibuf [dreg:s12], $0x9FFFF;
	_ =	strace $0x90000046  }
0xbe: {  	s29 =	simm.s32 $0x9;
	_ =	strace $0x80000048  }
0xbf: {  	_ =	swait.ge [sflag:s29], $0x1  }
0xc0: {  	[sflag:s29] =	ssyncadd.s32 $0xFFFFFFFF  }
0xc1: {  	_ =	strace $0x90000048  }
0xc2: {  	_ =	sfence  }
0xc3: {  	s30 =	sld [smem:$0x0];
	_ =	sdelay $0x2  }
0xc4: {  	s31 =	sshll.u32 s1, $0xD;
	s1 =	sshrl.u32 s1, $0x2  }
0xc5: {  	s3 =	sand.u32 $0x4000, s31;
	s1 =	sadd.s32 s1, s30  }
0xc6: {  	s0 =	sor.u32 s3, s0;
	s1 =	sshll.u32 s1, $0x11  }
0xc7: {  	s0 =	sor.u32 s1, s0  }
0xc8: {  	s0 =	sadd.s32 $0x8F2B, s0  }
0xc9: {  	[sflag:s0] =	ssyncadd.remote.s32 $0x1  }
0xca: {  	_ =	sfence.sel $0xFFFF  }
0xcb: {  	[dreg:$0x0] =	wrdreg $0xFFFFFFFF;
	(pc) =	sbr.abs _section_cstart, $3  }
0xcc: {  	[dreg:$0x1] =	wrdreg $0xFFFFFFFF  }
0xcd: {  	_ =	task.clear_ibuf [dreg:s12], $0x2FFFF;
	_ =	strace $0x9FFFFFFF  }
0xce: {  	(tm) =	ssettm $0x7FFFFFFF  }
0xcf: {  	_ =	shalt  }
tec
execute0_lowered:
.L_overlay_start_1:
0x0: {  	(tag) =	ssettag $0x1  }
0x1: {  	s2 =	rddreg [dreg:$0x1]  }
0x2: {  	s3 =	rddreg [dreg:$0x2];
	s1 =	srdreg.scid  }
0x3: {  	s0 =	stileid.u32;
	s4 =	rddreg [dreg:$0x3]  }
0x4: {  	s7 =	simm.s32 $0x0;
	s6 =	simm.s32 $0x1;
	s13 =	simm.s32 $0x2  }
0x5: {  	s17 =	simm.s32 $0x1A00;
	s18 =	simm.s32 $0x2200;
	s19 =	simm.s32 $0x2A00  }
0x6: {  	s20 =	simm.s32 $0x3200;
	s21 =	simm.s32 $0x3A00;
	s22 =	simm.s32 $0x4200  }
0x7: {  	s23 =	simm.s32 $0x4A00;
	s1 =	sand.u32 $0x1, s1;
	s5 =	sshll.u32 s0, $0x1  }
0x8: {  	s24 =	simm.s32 $0x5200;
	s25 =	simm.s32 $0x5A00;
	s5 =	sor.u32 s1, s5  }
0x9: {  	s26 =	simm.s32 $0x6200;
	p1 =	seq.s32 s1, $0x1;
	p0 =	seq.s32 s5, $0x0  }
0xa: {  	s28 =	simm.s32 $0x6A00;
	s29 =	simm.s32 $0x7200;
	p0 =	por !p0, !p1  }
0xb: {  	s30 =	simm.s32 $0x7A00;
	s31 =	simm.s32 $0x8200;
	p0 =	por !p0, !p0  }
0xc: {  	[smem:$0x7FF] =	sst s7;
	s1 =	ssub.s32 $0x2, s1;
	s6 =	simm.s32 @!p0 $0x0  }
0xd: {  	v1 =	vlaneseq.u32;
	_ =	strace $0x80000047;
	s8 =	sshrl.u32 s1, $0x1;
	s6 =	ssub.s32 s0, s6  }
0xe: {  	v62 =	vshrl.u32 v1, $0x3;
	v2 =	vand.u32 $0x7, v1;
	s10 =	sshll.u32 s5, $0x6;
	s11 =	sshll.u32 s5, $0xC;
	s1 =	ssub.s32 s1, s8;
	v0 =	vmov s6  }
0xf: {  	v63 =	vor.u32 $0x8, v1;
	[tilespmem:$0x1FFD0] =	vst v2;
	s8 =	simm.s32 $0x1;
	s11 =	sadd.s32 s4, s11;
	s9 =	sshll.u32 s6, $0x7;
	vm0 =	veq.s32 v0, v1;
	v0 =	vmul.u32 $0x8, v62  }
0x10: {  	[tilespmem:$0x1FFF0] =	vst v63;
	s4 =	simm.s32 $0x0;
	s12 =	smax.u32 s1, $0x1;
	s9 =	ssub.s32 s10, s9  }
0x11: {  	vm1 =	vmmov $0xffff;
	p0 =	sne.s32 s5, $0x0;
	s10 =	sadd.s32 $0x100, s3;
	s9 =	sadd.s32 $0xFFFFFF80, s9;
	[tilespmem:$0x1FFE0] =	vst v0  }
.LBB2_1:
0x12: {  	s1 =	rddreg [dreg:$0x0]  }
0x13: {  	[tilespmem:s7], [sflag:$0x2] =	stream.linear.gather [hbm4b:s1+s7], $0x80, $0x38;
	[tilespmem:$0x10200] =	vst v63  }
0x14: {  	_ =	swait.ge [sflag:s13], $0x80  }
0x15: {  	[sflag:s13] =	ssyncset.done $0x0  }
0x16: {  	[sflag:s13] =	ssyncadd.s32 $0xFFFFFF80  }
0x17: {  	v0 =	vld [tilespmem:$0x1];
	_ =	sdelay $0x4  }
0x18: {  	v0 =	vnsel vm0, $0x0, v0  }
0x19: {  	(xrf0) =	vadd.scan.msk.s32 $0xffff, v0;
	_ =	sdelay $0x5  }
0x1a: {  	v0, _, _ =	vpop (xrf0)  }
0x1b: {  	(v2sf) =	vpush v0, $0xF;
	_ =	sdelay $0xe  }
0x1c: {  	s5 =	spop (v2sf)  }
0x1d: {  	v3 =	vlaneseq.u32;
	v4 =	vld [tilespmem:$0x1FFD0];
	s1 =	sadd.s32 s5, s9  }
0x1e: {  	v0 =	vadd.s32 s1, v3  }
0x1f: {  	v5 =	vld [tilespmem:$0x1FFE0];
	v1 =	vshll.u32 v0, $0x2  }
0x20: {  	v2 =	vand.u32 $0x7, v0;
	v1 =	vand.u32 $0xFFFFFFE0, v1  }
0x21: {  	v6 =	vld [tilespmem:$0x1FFF0];
	v1 =	vor.u32 v2, v1  }
0x22: {  	v2 =	vperm.xlane v1, v4;
	_ =	sdelay $0x1  }
0x23: {  	s5 =	sadd.s32 $0x10, s1;
	v2 =	vadd.s32 v5, v2  }
0x24: {  	s6 =	sadd.s32 $0x20, s1;
	[tilespmem:$0x180] =	vst v0;
	v0 =	vadd.s32 s5, v3  }
0x25: {  	s1 =	sadd.s32 $0x30, s1;
	[tilespmem:$0x190] =	vst v0;
	v0 =	vadd.s32 s6, v3;
	v1 =	vperm.xlane v1, v6  }
0x26: {  	[tilespmem:$0x1A0] =	vst v0;
	v0 =	vadd.s32 s1, v3  }
0x27: {  	s14 =	simm.s32 $0x200;
	[tilespmem:$0x1B0] =	vst v0;
	v0 =	vadd.s32 v5, v1  }
0x28: {  	[tilespmem:s14], [sflag:$0x1] =	stream.indirect_vreg.gather [hbm4b:s3+s7], $0x80, v2, vm1, $0xb8;
	[tilespmem:$0x10200] =	vst v63  }
0x29: {  	s15 =	simm.s32 $0xA00  }
0x2a: {  	[tilespmem:s15], [sflag:$0x1] =	stream.indirect_vreg.gather [hbm4b:s10+s7], $0x80, v2, vm1, $0xb8;
	[tilespmem:$0x10200] =	vst v63  }
0x2b: {  	s16 =	simm.s32 $0x1200  }
0x2c: {  	[tilespmem:s16], [sflag:$0x1] =	stream.indirect_vreg.gather [hbm4b:s3+s7], $0x80, v0, vm1, $0xb8;
	[tilespmem:$0x10200] =	vst v63  }
0x2d: {  	_ = 	snop  }
0x2e: {  	[tilespmem:s17], [sflag:$0x1] =	stream.indirect_vreg.gather [hbm4b:s10+s7], $0x80, v0, vm1, $0xb8;
	[tilespmem:$0x10200] =	vst v63  }
0x2f: {  	v0 =	vld [tilespmem:$0x190];
	_ =	sdelay $0x4  }
0x30: {  	v1 =	vshll.u32 v0, $0x2  }
0x31: {  	v0 =	vand.u32 $0x7, v0;
	v1 =	vand.u32 $0xFFFFFFE0, v1  }
0x32: {  	v0 =	vor.u32 v0, v1  }
0x33: {  	v1 =	vperm.xlane v0, v4;
	_ =	sdelay $0x1  }
0x34: {  	v1 =	vadd.s32 v5, v1;
	_ =	sdelay $0x1  }
0x35: {  	v0 =	vperm.xlane v0, v6;
	_ =	sdelay $0x1  }
0x36: {  	v0 =	vadd.s32 v5, v0  }
0x37: {  	[tilespmem:s18], [sflag:$0x1] =	stream.indirect_vreg.gather [hbm4b:s3+s7], $0x80, v1, vm1, $0xb8;
	[tilespmem:$0x10200] =	vst v63  }
0x38: {  	_ = 	snop  }
0x39: {  	[tilespmem:s19], [sflag:$0x1] =	stream.indirect_vreg.gather [hbm4b:s10+s7], $0x80, v1, vm1, $0xb8;
	[tilespmem:$0x10200] =	vst v63  }
0x3a: {  	_ = 	snop  }
0x3b: {  	[tilespmem:s20], [sflag:$0x1] =	stream.indirect_vreg.gather [hbm4b:s3+s7], $0x80, v0, vm1, $0xb8;
	[tilespmem:$0x10200] =	vst v63  }
0x3c: {  	_ = 	snop  }
0x3d: {  	[tilespmem:s21], [sflag:$0x1] =	stream.indirect_vreg.gather [hbm4b:s10+s7], $0x80, v0, vm1, $0xb8;
	[tilespmem:$0x10200] =	vst v63  }
0x3e: {  	v0 =	vld [tilespmem:$0x1A0];
	_ =	sdelay $0x4  }
0x3f: {  	v1 =	vshll.u32 v0, $0x2  }
0x40: {  	v0 =	vand.u32 $0x7, v0;
	v1 =	vand.u32 $0xFFFFFFE0, v1  }
0x41: {  	v0 =	vor.u32 v0, v1  }
0x42: {  	v1 =	vperm.xlane v0, v4;
	_ =	sdelay $0x1  }
0x43: {  	v1 =	vadd.s32 v5, v1;
	_ =	sdelay $0x1  }
0x44: {  	v0 =	vperm.xlane v0, v6;
	_ =	sdelay $0x1  }
0x45: {  	v0 =	vadd.s32 v5, v0  }
0x46: {  	[tilespmem:s22], [sflag:$0x1] =	stream.indirect_vreg.gather [hbm4b:s3+s7], $0x80, v1, vm1, $0xb8;
	[tilespmem:$0x10200] =	vst v63  }
0x47: {  	_ = 	snop  }
0x48: {  	[tilespmem:s23], [sflag:$0x1] =	stream.indirect_vreg.gather [hbm4b:s10+s7], $0x80, v1, vm1, $0xb8;
	[tilespmem:$0x10200] =	vst v63  }
0x49: {  	_ = 	snop  }
0x4a: {  	[tilespmem:s24], [sflag:$0x1] =	stream.indirect_vreg.gather [hbm4b:s3+s7], $0x80, v0, vm1, $0xb8;
	[tilespmem:$0x10200] =	vst v63  }
0x4b: {  	_ = 	snop  }
0x4c: {  	[tilespmem:s25], [sflag:$0x1] =	stream.indirect_vreg.gather [hbm4b:s10+s7], $0x80, v0, vm1, $0xb8;
	[tilespmem:$0x10200] =	vst v63  }
0x4d: {  	v0 =	vld [tilespmem:$0x1B0];
	_ =	sdelay $0x4  }
0x4e: {  	v1 =	vshll.u32 v0, $0x2  }
0x4f: {  	v0 =	vand.u32 $0x7, v0;
	v1 =	vand.u32 $0xFFFFFFE0, v1  }
0x50: {  	v0 =	vor.u32 v0, v1  }
0x51: {  	v1 =	vperm.xlane v0, v4;
	_ =	sdelay $0x1  }
0x52: {  	v1 =	vadd.s32 v5, v1;
	_ =	sdelay $0x1  }
0x53: {  	v0 =	vperm.xlane v0, v6;
	_ =	sdelay $0x1  }
0x54: {  	v0 =	vadd.s32 v5, v0  }
0x55: {  	[tilespmem:s26], [sflag:$0x1] =	stream.indirect_vreg.gather [hbm4b:s3+s7], $0x80, v1, vm1, $0xb8;
	[tilespmem:$0x10200] =	vst v63  }
0x56: {  	_ = 	snop  }
0x57: {  	[tilespmem:s28], [sflag:$0x1] =	stream.indirect_vreg.gather [hbm4b:s10+s7], $0x80, v1, vm1, $0xb8;
	[tilespmem:$0x10200] =	vst v63  }
0x58: {  	_ = 	snop  }
0x59: {  	[tilespmem:s29], [sflag:$0x1] =	stream.indirect_vreg.gather [hbm4b:s3+s7], $0x80, v0, vm1, $0xb8;
	[tilespmem:$0x10200] =	vst v63  }
0x5a: {  	_ = 	snop  }
0x5b: {  	[tilespmem:s30], [sflag:$0x1] =	stream.indirect_vreg.gather [hbm4b:s10+s7], $0x80, v0, vm1, $0xb8;
	[tilespmem:$0x10200] =	vst v63  }
0x5c: {  	s5 =	simm.s32 @!p0 $0x80;
	s1 =	simm.s32 @!p0 $0x0  }
0x5d: {  	[tilespmem:s5], [sflag:$0x2] =	stream.linear.gather @!p0 [hbm4b:s2+s1], $0x80, $0x38;
	[tilespmem:$0x10200] =	vst v63  }
0x5e: {  	s5 =	simm.s32 @!p0 $0x2  }
0x5f: {  	_ =	swait.ge @!p0 [sflag:s5], $0x80  }
0x60: {  	[sflag:s5] =	ssyncset.done @!p0 $0x0  }
0x61: {  	[sflag:s5] =	ssyncadd.s32 @!p0 $0xFFFFFF80  }
0x62: {  	v0 =	vld @!p0 [tilespmem:$0x81]  }
0x63: {  	v1 =	vld @!p0 [tilespmem:$0x80];
	_ =	sdelay $0x4  }
0x64: {  	v0 =	vsub.s32 @!p0 v0, v1  }
0x65: {  	s6 =	simm.s32 @!p0 $0x100;
	s14 =	rddreg [dreg:$0x4];
	[tilespmem:$0x100] =	vst @!p0 v0  }
0x66: {  	[hbm4b:s14+s1] =	stream.linear.scatter @!p0 [tilespmem:s6], [sflag:$0x2], $0x80, $0x38;
	[tilespmem:$0x10200] =	vst v63  }
0x67: {  	_ =	swait.ge @!p0 [sflag:s5], $0x80  }
0x68: {  	[sflag:s5] =	ssyncset.done @!p0 $0x0  }
0x69: {  	s1 =	sshll.u32 @!p0 s0, $0x6;
	[sflag:s5] =	ssyncadd.s32 @!p0 $0xFFFFFF80  }
0x6a: {  	s1 =	sor.u32 @!p0 $0x1C02, s1;
	s6 =	rddreg [dreg:$0x5]  }
0x6b: {  	[hbm:s6], [sflag:s1] =	dma.local @!p0 [hbm:s2], $0x10  }
0x6c: {  	_ =	swait.ge @!p0 [sflag:s5], $0x10  }
0x6d: {  	[sflag:s5] =	ssyncset.done @!p0 $0x0  }
0x6e: {  	[sflag:s5] =	ssyncadd.s32 @!p0 $0xFFFFFFF0  }
0x6f: {  	_ =	swait.ge [sflag:s8], $0x8000  }
0x70: {  	s6 =	sand.u32 $0x380, s7;
	s5 =	sand.u32 $0x7000, s7;
	[sflag:s8] =	ssyncset.done $0x0  }
0x71: {  	s1 =	sor.u32 s6, s5;
	[sflag:s8] =	ssyncadd.s32 $0xFFFF8000  }
0x72: {  	v49 =	vld [tilespmem:s1+$0xE00]  }
0x73: {  	v47 =	vld [tilespmem:s1+$0xE10]  }
0x74: {  	v48 =	vld [tilespmem:s1+$0xE20]  }
0x75: {  	v0 =	vld [tilespmem:s1+$0xE30]  }
0x76: {  	v36 =	vld [tilespmem:s1+$0xA00]  }
0x77: {  	v50 =	vld [tilespmem:s1+$0xA10]  }
0x78: {  	v37 =	vld [tilespmem:s1+$0xA20]  }
0x79: {  	v38 =	vld [tilespmem:s1+$0xA30]  }
0x7a: {  	v3 =	vld [tilespmem:s1+$0x200]  }
0x7b: {  	v32 =	vld [tilespmem:s1+$0x210]  }
0x7c: {  	v15 =	vld [tilespmem:s1+$0x220]  }
0x7d: {  	v60 =	vld [tilespmem:s1+$0x230]  }
0x7e: {  	v17 =	vld [tilespmem:s1+$0x240]  }
0x7f: {  	v16 =	vld [tilespmem:s1+$0x250]  }
0x80: {  	v18 =	vld [tilespmem:s1+$0x260]  }
0x81: {  	v1 =	vld [tilespmem:s1+$0x270]  }
0x82: {  	v21 =	vld [tilespmem:s1+$0x600];
	v4 =	vmul.f32 v49, v49;
	v5 =	vmul.f32 v47, v47  }
0x83: {  	v45 =	vld [tilespmem:s1+$0x610];
	v6 =	vmul.f32 v48, v48;
	v7 =	vmul.f32 v0, v0  }
0x84: {  	v46 =	vld [tilespmem:s1+$0x620];
	v8 =	vmul.f32 v36, v36;
	v9 =	vmul.f32 v50, v50  }
0x85: {  	v57 =	vld [tilespmem:s1+$0x630];
	v10 =	vmul.f32 v37, v37;
	v11 =	vmul.f32 v38, v38  }
0x86: {  	v61 =	vld [tilespmem:s1+$0x640];
	v2 =	vmul.f32 v3, v3;
	v12 =	vmul.f32 v32, v32  }
0x87: {  	v59 =	vld [tilespmem:s1+$0x650];
	v14 =	vmul.f32 v15, v15;
	v19 =	vmul.f32 v60, v60  }
0x88: {  	v62 =	vld [tilespmem:s1+$0x660];
	v20 =	vmul.f32 v17, v17;
	v22 =	vmul.f32 v16, v16  }
0x89: {  	v63 =	vld [tilespmem:s1+$0x670];
	v23 =	vmul.f32 v18, v18;
	v24 =	vmul.f32 v1, v1  }
0x8a: {  	v52 =	vld [tilespmem:s1+$0xA40];
	v25 =	vmul.f32 v21, v21;
	v26 =	vmul.f32 v45, v45  }
0x8b: {  	v53 =	vld [tilespmem:s1+$0xA50];
	v27 =	vmul.f32 v46, v46;
	v28 =	vmul.f32 v57, v57  }
0x8c: {  	v54 =	vld [tilespmem:s1+$0xA60];
	v29 =	vmul.f32 v61, v61;
	v30 =	vmul.f32 v59, v59  }
0x8d: {  	v55 =	vld [tilespmem:s1+$0xA70];
	v25 =	vadd.f32 v25, v2;
	v2 =	vmul.f32 v62, v62;
	v12 =	vadd.f32 v26, v12  }
0x8e: {  	v51 =	vld [tilespmem:s1+$0xE40];
	v14 =	vadd.f32 v27, v14;
	v26 =	vmul.f32 v63, v63;
	v19 =	vadd.f32 v28, v19  }
0x8f: {  	v56 =	vld [tilespmem:s1+$0xE50];
	v27 =	vmul.f32 v52, v52;
	v20 =	vadd.f32 v29, v20;
	v22 =	vadd.f32 v30, v22  }
0x90: {  	v58 =	vld [tilespmem:s1+$0xE60];
	v28 =	vmul.f32 v53, v53;
	v23 =	vadd.f32 v2, v23;
	v24 =	vadd.f32 v26, v24  }
0x91: {  	v26 =	vmul.f32 v54, v54;
	v2 =	vld [tilespmem:s1+$0xE70];
	v8 =	vadd.f32 v8, v25;
	v9 =	vadd.f32 v9, v12  }
0x92: {  	v12 =	vmul.f32 v55, v55;
	v10 =	vadd.f32 v10, v14;
	v11 =	vadd.f32 v11, v19  }
0x93: {  	v14 =	vmul.f32 v51, v51;
	v19 =	vadd.f32 v27, v20;
	v20 =	vadd.f32 v28, v22  }
0x94: {  	v22 =	vmul.f32 v56, v56;
	v23 =	vadd.f32 v26, v23;
	v12 =	vadd.f32 v12, v24  }
0x95: {  	v24 =	vmul.f32 v58, v58;
	v4 =	vadd.f32 v4, v8;
	v5 =	vadd.f32 v5, v9  }
0x96: {  	v6 =	vadd.f32 v6, v10;
	v7 =	vadd.f32 v7, v11;
	v8 =	vmul.f32 v2, v2  }
0x97: {  	v9 =	vadd.f32 v14, v19;
	v10 =	vadd.f32 v22, v20  }
0x98: {  	v11 =	vadd.f32 v24, v23;
	v8 =	vadd.f32 v8, v12  }
0x99: {  	v4 =	vadd.f32 v5, v4;
	v5 =	vadd.f32 v7, v6  }
0x9a: {  	v6 =	vadd.f32 v10, v9;
	v7 =	vadd.f32 v8, v11  }
0x9b: {  	s15 =	simm.s32 $0x80;
	s14 =	simm.s32 $0x200  }
0x9c: {  	s5 =	sand.u32 $0x7000, s14;
	s6 =	sand.u32 $0x380, s15;
	v4 =	vadd.f32 v5, v4;
	v5 =	vadd.f32 v7, v6  }
0x9d: {  	s5 =	sor.u32 s6, s5  }
0x9e: {  	v39 =	vld [tilespmem:s5+$0xE00];
	v4 =	vadd.f32 v5, v4  }
0x9f: {  	v35 =	vld [tilespmem:s5+$0xE10]  }
0xa0: {  	v40 =	vld [tilespmem:s5+$0xE20];
	(xrf2) =	vadd.scan.msk.f32 $0xffff, v4  }
0xa1: {  	v43 =	vld [tilespmem:s5+$0xA00]  }
0xa2: {  	v42 =	vld [tilespmem:s5+$0xA10]  }
0xa3: {  	v41 =	vld [tilespmem:s5+$0xA20]  }
0xa4: {  	v44 =	vld [tilespmem:s5+$0x200]  }
0xa5: {  	v25 =	vld [tilespmem:s5+$0x230]  }
0xa6: {  	v27 =	vld [tilespmem:s5+$0x630]  }
0xa7: {  	v19 =	vld [tilespmem:s5+$0x240]  }
0xa8: {  	v20 =	vld [tilespmem:s5+$0x260]  }
0xa9: {  	v22 =	vld [tilespmem:s5+$0x270]  }
0xaa: {  	v14 =	vld [tilespmem:s5+$0x620];
	v4, _, _ =	vpop (xrf2)  }
0xab: {  	v9 =	vld [tilespmem:s5+$0x210];
	v4 =	vadd.f32 $0.0e+00, v4  }
0xac: {  	v10 =	vld [tilespmem:s5+$0x600]  }
0xad: {  	v11 =	vld [tilespmem:s5+$0x220];
	v4 =	vbroadcast v4, $0xF  }
0xae: {  	v12 =	vld [tilespmem:s5+$0x610]  }
0xaf: {  	v26 =	vld [tilespmem:s5+$0x640];
	v5 =	vshra.s32 v4, $0x1;
	v6 =	vmul.f32 $5.000000000e-01, v4  }
0xb0: {  	v23 =	vld [tilespmem:s5+$0x250];
	[tilespmem:$0x1FDF0] =	vst v9;
	v5 =	vsub.s32 $0x5F3759DF, v5  }
0xb1: {  	v28 =	vld [tilespmem:s5+$0x650];
	[tilespmem:$0x1FE00] =	vst v10;
	v7 =	vmul.f32 v5, v6  }
0xb2: {  	[tilespmem:$0x1FE10] =	vst v11  }
0xb3: {  	v33 =	vld [tilespmem:s5+$0x660];
	[tilespmem:$0x1FE20] =	vst v12;
	v7 =	vmul.f32 v5, v7  }
0xb4: {  	v8 =	vmul.f32 v44, v44;
	v9 =	vmul.f32 v9, v9;
	v29 =	vld [tilespmem:s5+$0x670];
	[tilespmem:$0x1FE30] =	vst v14  }
0xb5: {  	v10 =	vmul.f32 v10, v10;
	v11 =	vmul.f32 v11, v11;
	v24 =	vld [tilespmem:s5+$0xA30];
	[tilespmem:$0x1FE40] =	vst v25;
	v7 =	vsub.f32 $1.500000000e+00, v7  }
0xb6: {  	v12 =	vmul.f32 v12, v12;
	v14 =	vmul.f32 v14, v14;
	[tilespmem:$0x1FE50] =	vst v27  }
0xb7: {  	v5 =	vmul.f32 v5, v7;
	v7 =	vadd.f32 v10, v8;
	v8 =	vmul.f32 v25, v25;
	v25 =	vld [tilespmem:s5+$0xA40];
	[tilespmem:$0x1FE60] =	vst v19  }
0xb8: {  	v9 =	vadd.f32 v12, v9;
	[tilespmem:$0x1FE70] =	vst v26  }
0xb9: {  	v12 =	vmul.f32 v19, v19;
	v11 =	vadd.f32 v14, v11;
	v14 =	vmul.f32 v26, v26;
	[tilespmem:$0x1FE80] =	vst v23  }
0xba: {  	v10 =	vmul.f32 v27, v27;
	v30 =	vld [tilespmem:s5+$0xA50];
	[tilespmem:$0x1FE90] =	vst v28  }
0xbb: {  	v12 =	vadd.f32 v14, v12;
	v14 =	vmul.f32 v20, v20;
	[tilespmem:$0x1FEA0] =	vst v20;
	v20 =	vmul.f32 v33, v33  }
0xbc: {  	v19 =	vmul.f32 v28, v28;
	v8 =	vadd.f32 v10, v8;
	v10 =	vmul.f32 v23, v23;
	v31 =	vld [tilespmem:s5+$0xA60];
	[tilespmem:$0x1FEB0] =	vst v22  }
0xbd: {  	v23 =	vmul.f32 v42, v42;
	v6 =	vmul.f32 v5, v6;
	v26 =	vld [tilespmem:s5+$0xA70];
	[tilespmem:$0x1FEC0] =	vst v29;
	v14 =	vadd.f32 v20, v14  }
0xbe: {  	v10 =	vadd.f32 v19, v10;
	v19 =	vmul.f32 v22, v22;
	v22 =	vmul.f32 v29, v29;
	v27 =	vld [tilespmem:s5+$0xE30]  }
0xbf: {  	v20 =	vmul.f32 v43, v43;
	v28 =	vld [tilespmem:s5+$0xE40];
	[tilespmem:$0x1FED0] =	vst v24;
	v24 =	vmul.f32 v24, v24;
	v9 =	vadd.f32 v23, v9  }
0xc0: {  	v6 =	vmul.f32 v6, v5;
	v29 =	vld [tilespmem:s5+$0xE50];
	[tilespmem:$0x1FEE0] =	vst v25;
	v19 =	vadd.f32 v22, v19;
	v22 =	vmul.f32 v41, v41  }
0xc1: {  	v7 =	vadd.f32 v20, v7;
	v20 =	vmul.f32 v25, v25;
	v8 =	vadd.f32 v24, v8;
	v25 =	vld [tilespmem:s5+$0xE60];
	[tilespmem:$0x1FEF0] =	vst v30  }
0xc2: {  	v24 =	vmul.f32 v35, v35;
	[tilespmem:$0x1FF00] =	vst v31;
	v11 =	vadd.f32 v22, v11;
	v22 =	vmul.f32 v30, v30  }
0xc3: {  	v6 =	vsub.f32 $1.500000000e+00, v6;
	v12 =	vadd.f32 v20, v12;
	v20 =	vmul.f32 v31, v31;
	v30 =	vld [tilespmem:s5+$0xE70]  }
0xc4: {  	v23 =	vmul.f32 v26, v26;
	v10 =	vadd.f32 v22, v10;
	v22 =	vmul.f32 v39, v39  }
0xc5: {  	v9 =	vadd.f32 v24, v9;
	v14 =	vadd.f32 v20, v14;
	v20 =	vmul.f32 v40, v40  }
0xc6: {  	v19 =	vadd.f32 v23, v19;
	v7 =	vadd.f32 v22, v7;
	v22 =	vmul.f32 v27, v27  }
0xc7: {  	v23 =	vmul.f32 v29, v29;
	v11 =	vadd.f32 v20, v11;
	v20 =	vmul.f32 v28, v28  }
0xc8: {  	v24 =	vmul.f32 v30, v30;
	v8 =	vadd.f32 v22, v8;
	v22 =	vmul.f32 v25, v25  }
0xc9: {  	v10 =	vadd.f32 v23, v10;
	v12 =	vadd.f32 v20, v12  }
0xca: {  	v5 =	vmul.f32 v6, v5;
	v19 =	vadd.f32 v24, v19;
	v14 =	vadd.f32 v22, v14  }
0xcb: {  	v7 =	vadd.f32 v9, v7;
	v9 =	vadd.f32 v10, v12  }
0xcc: {  	[tilespmem:$0x1FF10] =	vst v26;
	v4 =	vmul.f32 v5, v4;
	v8 =	vadd.f32 v8, v11;
	v10 =	vadd.f32 v19, v14  }
0xcd: {  	[tilespmem:$0x1FF20] =	vst v27  }
0xce: {  	[tilespmem:$0x1FF30] =	vst v28;
	vm2 =	vgt.f32 v4, $9.999999970e-07;
	v7 =	vadd.f32 v8, v7;
	v8 =	vadd.f32 v10, v9  }
0xcf: {  	[tilespmem:$0x1FF40] =	vst v29;
	v4 =	vnsel vm2, $0x49742400, v5  }
0xd0: {  	[tilespmem:$0x1FF50] =	vst v25;
	v2 =	vmul.f32 v4, v2;
	v6 =	vadd.f32 v8, v7  }
0xd1: {  	[tilespmem:$0x1FF60] =	vst v30;
	v3 =	vmul.f32 v4, v3  }
0xd2: {  	s16 =	simm.s32 $0x400;
	s14 =	simm.s32 $0x100;
	v5 =	vmul.f32 v4, v60;
	[tilespmem:s1+$0x8E70] =	vst v2;
	(xrf2) =	vadd.scan.msk.f32 $0xffff, v6  }
0xd3: {  	s6 =	sand.u32 $0x7000, s16;
	s15 =	sand.u32 $0x380, s14;
	v1 =	vmul.f32 v4, v1;
	[tilespmem:s1+$0x8200] =	vst v3  }
0xd4: {  	s6 =	sor.u32 s15, s6;
	v12 =	vmul.f32 v4, v63;
	[tilespmem:s1+$0x8230] =	vst v5  }
0xd5: {  	v30 =	vld [tilespmem:s6+$0xE00];
	v2 =	vmul.f32 v4, v32;
	[tilespmem:s1+$0x8270] =	vst v1  }
0xd6: {  	v26 =	vld [tilespmem:s6+$0xE30];
	v3 =	vmul.f32 v4, v15;
	[tilespmem:s1+$0x8670] =	vst v12  }
0xd7: {  	v29 =	vld [tilespmem:s6+$0xE50];
	v5 =	vmul.f32 v4, v21;
	[tilespmem:s1+$0x8210] =	vst v2  }
0xd8: {  	v20 =	vmul.f32 v4, v54;
	v54 =	vld [tilespmem:s6+$0x230];
	v11 =	vmul.f32 v4, v62;
	[tilespmem:s1+$0x8220] =	vst v3  }
0xd9: {  	v31 =	vmul.f32 v4, v56;
	v56 =	vld [tilespmem:s6+$0x250];
	v2 =	vmul.f32 v4, v17;
	[tilespmem:s1+$0x8600] =	vst v5  }
0xda: {  	v24 =	vld [tilespmem:s6+$0xE40];
	v3 =	vmul.f32 v4, v16;
	[tilespmem:s1+$0x8660] =	vst v11  }
0xdb: {  	v15 =	vld [tilespmem:s6+$0xE10];
	v5 =	vmul.f32 v4, v36;
	[tilespmem:s1+$0x8240] =	vst v2  }
0xdc: {  	v21 =	vmul.f32 v4, v55;
	v55 =	vld [tilespmem:s6+$0x220];
	v2 =	vmul.f32 v4, v45;
	[tilespmem:s1+$0x8250] =	vst v3;
	v8, _, _ =	vpop (xrf2)  }
0xdd: {  	v17 =	vld [tilespmem:s6+$0xE20];
	v3 =	vmul.f32 v4, v57;
	[tilespmem:s1+$0x8A00] =	vst v5;
	v8 =	vadd.f32 $0.0e+00, v8  }
0xde: {  	v36 =	vld [tilespmem:s6+$0xA20];
	v14 =	vmul.f32 v4, v37;
	v10 =	vmul.f32 v4, v61;
	[tilespmem:s1+$0x8610] =	vst v2  }
0xdf: {  	v37 =	vld [tilespmem:s6+$0xA30];
	[tilespmem:s1+$0x8630] =	vst v3;
	v6 =	vmul.f32 v4, v18;
	v1 =	vbroadcast v8, $0xF  }
0xe0: {  	v19 =	vmul.f32 v4, v53;
	v53 =	vld [tilespmem:s6+$0x200];
	v7 =	vmul.f32 v4, v46;
	[tilespmem:s1+$0x8640] =	vst v10  }
0xe1: {  	v45 =	vld [tilespmem:s6+$0xA00];
	[tilespmem:s1+$0x8260] =	vst v6;
	v6 =	vmul.f32 v4, v59;
	v2 =	vshra.s32 v1, $0x1;
	v9 =	vmul.f32 $5.000000000e-01, v1  }
0xe2: {  	v57 =	vld [tilespmem:s6+$0x240];
	[tilespmem:s1+$0x8620] =	vst v7;
	v8 =	vmul.f32 v4, v50;
	v16 =	vsub.s32 $0x5F3759DF, v2  }
0xe3: {  	v46 =	vld [tilespmem:s6+$0xA10];
	[tilespmem:s1+$0x8650] =	vst v6;
	v2 =	vmul.f32 v16, v9  }
0xe4: {  	v7 =	vmul.f32 v4, v38;
	v38 =	vld [tilespmem:s6+$0xA40];
	[tilespmem:s1+$0x8A10] =	vst v8  }
0xe5: {  	v18 =	vmul.f32 v4, v52;
	v52 =	vld [tilespmem:s6+$0x210];
	[tilespmem:$0x1FF70] =	vst v30;
	v2 =	vmul.f32 v16, v2  }
0xe6: {  	[tilespmem:s1+$0x8A20] =	vst v14  }
0xe7: {  	v27 =	vmul.f32 v4, v0;
	v0 =	vsub.f32 $1.500000000e+00, v2;
	v2 =	vmul.f32 v4, v58;
	v58 =	vld [tilespmem:s6+$0x260];
	[tilespmem:$0x1FF80] =	vst v15  }
0xe8: {  	[tilespmem:$0x1FF90] =	vst v17  }
0xe9: {  	v23 =	vmul.f32 v4, v47;
	v25 =	vmul.f32 v4, v48;
	[tilespmem:s1+$0x8A30] =	vst v7  }
0xea: {  	v28 =	vmul.f32 v4, v51;
	v22 =	vmul.f32 v4, v49;
	v59 =	vld [tilespmem:s6+$0x270];
	[tilespmem:$0x1FFA0] =	vst v26  }
0xeb: {  	v3 =	vmul.f32 v30, v30;
	v5 =	vmul.f32 v17, v17;
	[tilespmem:$0x1FFB0] =	vst v24  }
0xec: {  	v12 =	vmul.f32 v36, v36;
	v11 =	vmul.f32 v53, v53;
	[tilespmem:s1+$0x8A40] =	vst v18  }
0xed: {  	v10 =	vmul.f32 v45, v45;
	v6 =	vmul.f32 v26, v26;
	v60 =	vld [tilespmem:s6+$0x600];
	[tilespmem:$0x1FFC0] =	vst v29  }
0xee: {  	v8 =	vmul.f32 v29, v29;
	v14 =	vmul.f32 v46, v46;
	v62 =	vld [tilespmem:s6+$0x610]  }
0xef: {  	v4 =	vmul.f32 v15, v15;
	v16 =	vmul.f32 v16, v0;
	[tilespmem:s1+$0x8A50] =	vst v19;
	v0 =	vld [tilespmem:s6+$0x620]  }
0xf0: {  	v7 =	vmul.f32 v24, v24;
	v24 =	vmul.f32 v56, v56;
	[tilespmem:s1+$0x8A60] =	vst v20;
	v61 =	vld [tilespmem:s6+$0x630]  }
0xf1: {  	v18 =	vmul.f32 v37, v37;
	[tilespmem:s1+$0x8A70] =	vst v21;
	v19 =	vmul.f32 v38, v38;
	v63 =	vld [tilespmem:s6+$0x640]  }
0xf2: {  	v20 =	vmul.f32 v52, v52;
	[tilespmem:s1+$0x8E00] =	vst v22;
	v22 =	vmul.f32 v55, v55;
	v47 =	vld [tilespmem:s6+$0x650]  }
0xf3: {  	v21 =	vmul.f32 v54, v54;
	[tilespmem:s1+$0x8E10] =	vst v23;
	v23 =	vmul.f32 v57, v57  }
0xf4: {  	[tilespmem:s1+$0x8E20] =	vst v25;
	v25 =	vmul.f32 v58, v58;
	v48 =	vld [tilespmem:s6+$0x660];
	v26 =	vmul.f32 v59, v59  }
0xf5: {  	[tilespmem:s1+$0x8E30] =	vst v27;
	v51 =	vld [tilespmem:s6+$0x670];
	v30 =	vmul.f32 v60, v60;
	v27 =	vmul.f32 v62, v62  }
0xf6: {  	v13 =	vmov v33;
	[tilespmem:s1+$0x8E40] =	vst v28;
	v49 =	vld [tilespmem:s6+$0xA50];
	v28 =	vmul.f32 v0, v0;
	v29 =	vmul.f32 v61, v61  }
0xf7: {  	s15 =	simm.s32 $0x600;
	v15 =	vmovc v45;
	v17 =	vmov v46;
	[tilespmem:s1+$0x8E50] =	vst v31;
	v50 =	vld [tilespmem:s6+$0xA60];
	v32 =	vmul.f32 v63, v63;
	v31 =	vmul.f32 v47, v47  }
.LBB2_2:
0xf8: {  	_ = 	snop  }
0xf9: {  	v34 =	vmul.f32 v16, v9  }
0xfa: {  	v30 =	vadd.f32 v30, v11  }
0xfb: {  	v11 =	vld [tilespmem:s6+$0xA70];
	[tilespmem:s1+$0x8E60] =	vst v2;
	v2 =	vadd.f32 v27, v20;
	v20 =	vadd.f32 v28, v22;
	v27 =	vmul.f32 v34, v16  }
0xfc: {  	v33 =	vmul.f32 v48, v48;
	v21 =	vadd.f32 v29, v21;
	v23 =	vadd.f32 v32, v23  }
0xfd: {  	v24 =	vadd.f32 v31, v24;
	v27 =	vsub.f32 $1.500000000e+00, v27  }
0xfe: {  	s1 =	smov.u32 s5;
	s5 =	smov.u32 s6;
	v22 =	vmul.f32 v51, v51;
	v25 =	vadd.f32 v33, v25;
	v12 =	vadd.f32 v12, v20  }
0xff: {  	v9 =	vld [tilespmem:s5+$0xE60];
	v10 =	vadd.f32 v10, v30;
	v2 =	vadd.f32 v14, v2;
	v16 =	vmul.f32 v27, v16  }
0x100: {  	v28 =	vmul.f32 v49, v49;
	v18 =	vadd.f32 v18, v21;
	v5 =	vadd.f32 v5, v12;
	v12 =	vld [tilespmem:$0x1FF60]  }
0x101: {  	v29 =	vld [tilespmem:s5+$0xE70];
	v19 =	vadd.f32 v19, v23;
	v22 =	vadd.f32 v22, v26;
	v1 =	vmul.f32 v16, v1  }
0x102: {  	v26 =	vmul.f32 v50, v50;
	v20 =	vadd.f32 v28, v24;
	v3 =	vadd.f32 v3, v10  }
0x103: {  	v2 =	vadd.f32 v4, v2;
	v6 =	vadd.f32 v6, v18;
	vm2 =	vgt.f32 v1, $9.999999970e-07  }
0x104: {  	v1 =	vadd.f32 v7, v19;
	v7 =	vadd.f32 v8, v20;
	v8 =	vnsel vm2, $0x49742400, v16  }
0x105: {  	s14 =	sadd.s32 $0x80, s14;
	v14 =	vmul.f32 v11, v11;
	v23 =	vadd.f32 v26, v25;
	v16 =	vmul.f32 v8, v12  }
0x106: {  	s6 =	sand.u32 $0x7000, s15;
	s16 =	sand.u32 $0x380, s14;
	v21 =	vmul.f32 v9, v9;
	v4 =	vmul.f32 v29, v29;
	v2 =	vadd.f32 v2, v3  }
0x107: {  	s6 =	sor.u32 s16, s6;
	v3 =	vadd.f32 v6, v5;
	v6 =	vld [tilespmem:$0x1FDF0];
	v14 =	vadd.f32 v14, v22;
	v5 =	vmul.f32 v8, v44;
	[tilespmem:s1+$0x8E70] =	vst v16  }
0x108: {  	v1 =	vadd.f32 v7, v1;
	v7 =	vld [tilespmem:s6+$0xE00]  }
0x109: {  	v10 =	vadd.f32 v21, v23;
	v4 =	vadd.f32 v4, v14;
	[tilespmem:s1+$0x8200] =	vst v5;
	v5 =	vld [tilespmem:$0x1FE10];
	_ =	sdelay $0x1  }
0x10a: {  	v2 =	vadd.f32 v3, v2;
	v3 =	vld [tilespmem:$0x1FE60];
	v14 =	vmov v29;
	v4 =	vadd.f32 v4, v10  }
0x10b: {  	v10 =	vld [tilespmem:$0x1FE40];
	[tilespmem:$0x1FF60] =	vst v14;
	v6 =	vmul.f32 v8, v6;
	v12 =	vmov v55  }
0x10c: {  	v1 =	vadd.f32 v4, v1;
	v4 =	vld [tilespmem:$0x1FE80];
	[tilespmem:$0x1FE10] =	vst v12  }
0x10d: {  	v14 =	vmov v57;
	v12 =	vld [tilespmem:s6+$0xE10];
	[tilespmem:s1+$0x8210] =	vst v6;
	v5 =	vmul.f32 v8, v5  }
0x10e: {  	[tilespmem:$0x1FE60] =	vst v14;
	v6 =	vld [tilespmem:s6+$0xE20]  }
0x10f: {  	v20 =	vmov v59;
	[tilespmem:s1+$0x8220] =	vst v5;
	v5 =	vld [tilespmem:$0x1FEA0]  }
0x110: {  	v10 =	vmul.f32 v8, v10;
	v16 =	vmov v54;
	v1 =	vadd.f32 v1, v2;
	v2 =	vld [tilespmem:$0x1FEB0];
	[tilespmem:$0x1FEB0] =	vst v20  }
0x111: {  	[tilespmem:$0x1FE40] =	vst v16  }
0x112: {  	v19 =	vmov v58;
	v3 =	vmul.f32 v8, v3;
	v14 =	vld [tilespmem:s6+$0xE30];
	[tilespmem:s1+$0x8230] =	vst v10  }
0x113: {  	v4 =	vmul.f32 v8, v4;
	[tilespmem:$0x1FEA0] =	vst v19;
	v16 =	vld [tilespmem:s6+$0xE40]  }
0x114: {  	[tilespmem:s1+$0x8240] =	vst v3;
	v3 =	vld [tilespmem:$0x1FE20];
	v5 =	vmul.f32 v8, v5  }
0x115: {  	v19 =	vld [tilespmem:s6+$0xE50];
	[tilespmem:s1+$0x8250] =	vst v4  }
0x116: {  	v22 =	vmov v62;
	v2 =	vmul.f32 v8, v2;
	v20 =	vld [tilespmem:s6+$0xA00];
	[tilespmem:s1+$0x8260] =	vst v5  }
0x117: {  	[tilespmem:$0x1FE20] =	vst v22;
	v22 =	vld [tilespmem:s6+$0xA10]  }
0x118: {  	[tilespmem:s1+$0x8270] =	vst v2;
	v2 =	vld [tilespmem:$0x1FEC0];
	_ =	sdelay $0x2  }
0x119: {  	v18 =	vmov v52  }
0x11a: {  	[tilespmem:$0x1FDF0] =	vst v18;
	v18 =	vld [tilespmem:$0x1FE30]  }
0x11b: {  	v10 =	vld [tilespmem:$0x1FE00];
	v23 =	vmul.f32 v8, v2;
	v2 =	vmov v0  }
0x11c: {  	[tilespmem:$0x1FE30] =	vst v2;
	v2 =	vld [tilespmem:$0x1FED0];
	_ =	sdelay $0x3  }
0x11d: {  	(xrf2) =	vadd.scan.msk.f32 $0xffff, v1;
	v1 =	vld [tilespmem:$0x1FE50];
	v10 =	vmul.f32 v8, v10  }
0x11e: {  	v3 =	vmul.f32 v8, v3;
	v26 =	vmul.f32 v8, v2;
	v2 =	vld [tilespmem:$0x1FEE0];
	_ =	sdelay $0x1  }
0x11f: {  	[tilespmem:s1+$0x8600] =	vst v10  }
0x120: {  	v18 =	vmul.f32 v8, v18;
	v24 =	vmul.f32 v8, v43;
	v43 =	vmov v36;
	v36 =	vld [tilespmem:s6+$0xA20];
	[tilespmem:s1+$0x8610] =	vst v3  }
0x121: {  	v3 =	vmov v37;
	v37 =	vld [tilespmem:s6+$0xA30]  }
0x122: {  	v1 =	vmul.f32 v8, v1;
	v27 =	vmul.f32 v8, v2;
	v2 =	vmov v38;
	v38 =	vld [tilespmem:s6+$0xA40];
	[tilespmem:s1+$0x8620] =	vst v18  }
0x123: {  	v46 =	vmov v53;
	v53 =	vld [tilespmem:s6+$0x200]  }
0x124: {  	[tilespmem:s1+$0x8630] =	vst v1;
	v1 =	vld [tilespmem:$0x1FF10];
	_ =	sdelay $0x4  }
0x125: {  	v30 =	vmul.f32 v8, v1;
	v1 =	vmov v11  }
0x126: {  	[tilespmem:$0x1FF10] =	vst v1;
	v1 =	vld [tilespmem:$0x1FF70];
	_ =	sdelay $0x4  }
0x127: {  	v25 =	vmul.f32 v8, v41;
	v41 =	vmov v1;
	v1 =	vld [tilespmem:$0x1FF80];
	_ =	sdelay $0x3  }
0x128: {  	v4 =	vld [tilespmem:$0x1FE70]  }
0x129: {  	v0 =	vmul.f32 v8, v42;
	v42 =	vmov v1;
	v1 =	vld [tilespmem:$0x1FF20]  }
0x12a: {  	v5 =	vld [tilespmem:$0x1FE90]  }
0x12b: {  	v21 =	vmov v56  }
0x12c: {  	[tilespmem:$0x1FE80] =	vst v21;
	v21 =	vmul.f32 v8, v13;
	v13 =	vmov v60  }
0x12d: {  	[tilespmem:$0x1FE00] =	vst v13;
	v10 =	vmov v61  }
0x12e: {  	v4 =	vmul.f32 v8, v4;
	[tilespmem:$0x1FE50] =	vst v10;
	v34 =	vmul.f32 v8, v1;
	v1 =	vld [tilespmem:$0x1FF30]  }
0x12f: {  	v5 =	vmul.f32 v8, v5;
	[tilespmem:$0x1FEE0] =	vst v2;
	v2 =	vld [tilespmem:$0x1FEF0]  }
0x130: {  	v52 =	vld [tilespmem:s6+$0x210];
	[tilespmem:s1+$0x8640] =	vst v4  }
0x131: {  	v55 =	vld [tilespmem:s6+$0x220];
	[tilespmem:s1+$0x8650] =	vst v5  }
0x132: {  	v45 =	vmov v15;
	v32 =	vmul.f32 v8, v35;
	[tilespmem:$0x1FED0] =	vst v3;
	v54 =	vld [tilespmem:s6+$0x230]  }
0x133: {  	v15 =	vmovc v20;
	v10 =	vmul.f32 v20, v20;
	v20 =	vmov v49;
	[tilespmem:s1+$0x8660] =	vst v21;
	v35 =	vmul.f32 v8, v1;
	v1 =	vld [tilespmem:$0x1FF90]  }
0x134: {  	[tilespmem:$0x1FEF0] =	vst v20;
	v57 =	vld [tilespmem:s6+$0x240]  }
0x135: {  	[tilespmem:s1+$0x8670] =	vst v23;
	v28 =	vmul.f32 v8, v2;
	v2 =	vld [tilespmem:$0x1FF00]  }
0x136: {  	v21 =	vmov v50;
	v56 =	vld [tilespmem:s6+$0x250];
	[tilespmem:s1+$0x8A00] =	vst v24  }
0x137: {  	v3 =	vmov v7;
	[tilespmem:$0x1FF00] =	vst v21;
	v58 =	vld [tilespmem:s6+$0x260]  }
0x138: {  	v33 =	vmul.f32 v8, v40;
	[tilespmem:$0x1FF70] =	vst v3;
	v40 =	vmov v1;
	v1 =	vld [tilespmem:$0x1FF40]  }
0x139: {  	[tilespmem:s1+$0x8A10] =	vst v0;
	v0 =	vld [tilespmem:$0x1FFB0]  }
0x13a: {  	v59 =	vld [tilespmem:s6+$0x270];
	[tilespmem:s1+$0x8A20] =	vst v25  }
0x13b: {  	v11 =	vmov v47;
	v60 =	vld [tilespmem:s6+$0x600];
	[tilespmem:s1+$0x8A30] =	vst v26  }
0x13c: {  	[tilespmem:$0x1FE90] =	vst v11;
	v62 =	vld [tilespmem:s6+$0x610]  }
0x13d: {  	v31 =	vmul.f32 v8, v39;
	v5 =	vmov v9;
	[tilespmem:s1+$0x8A40] =	vst v27;
	v39 =	vmul.f32 v8, v1;
	v1 =	vld [tilespmem:$0x1FF50]  }
0x13e: {  	v29 =	vmul.f32 v8, v2;
	v2 =	vmov v63;
	[tilespmem:$0x1FF50] =	vst v5;
	v5 =	vld [tilespmem:$0x1FFA0]  }
0x13f: {  	v4 =	vmov v12;
	[tilespmem:$0x1FE70] =	vst v2  }
0x140: {  	[tilespmem:$0x1FF80] =	vst v4;
	v13 =	vmov v0;
	v0 =	vmov v16  }
0x141: {  	[tilespmem:$0x1FFB0] =	vst v0;
	v0 =	vld [tilespmem:$0x1FFC0]  }
0x142: {  	v3 =	vmul.f32 v7, v3;
	v7 =	vmov v14;
	[tilespmem:$0x1FF30] =	vst v13  }
0x143: {  	[tilespmem:$0x1FFA0] =	vst v7;
	v9 =	vmov v5  }
0x144: {  	v2 =	vmul.f32 v8, v1;
	v8 =	vmov v6;
	[tilespmem:$0x1FF20] =	vst v9  }
0x145: {  	v1, _, _ =	vpop (xrf2);
	[tilespmem:$0x1FF90] =	vst v8;
	v5 =	vmul.f32 v6, v8;
	v8 =	vmul.f32 v19, v19;
	v19 =	vmov v19  }
0x146: {  	v18 =	vmul.f32 v37, v37;
	v11 =	vmul.f32 v53, v53;
	v1 =	vadd.f32 $0.0e+00, v1;
	[tilespmem:$0x1FFC0] =	vst v19;
	v9 =	vmovc v0  }
0x147: {  	v20 =	vmul.f32 v52, v52;
	v21 =	vmul.f32 v54, v54;
	v0 =	vmov v51;
	[tilespmem:$0x1FF40] =	vst v9  }
0x148: {  	v23 =	vmul.f32 v57, v57;
	v1 =	vbroadcast v1, $0xF;
	[tilespmem:$0x1FEC0] =	vst v0  }
0x149: {  	v4 =	vmul.f32 v12, v4;
	v12 =	vmul.f32 v36, v36;
	v0 =	vld [tilespmem:s6+$0x620];
	[tilespmem:s1+$0x8A50] =	vst v28  }
0x14a: {  	v7 =	vmul.f32 v16, v16;
	v16 =	vshra.s32 v1, $0x1;
	v9 =	vmul.f32 $5.000000000e-01, v1;
	v61 =	vld [tilespmem:s6+$0x630];
	[tilespmem:s1+$0x8A60] =	vst v29  }
0x14b: {  	v25 =	vmul.f32 v58, v58;
	v26 =	vmul.f32 v59, v59;
	v16 =	vsub.s32 $0x5F3759DF, v16;
	v63 =	vld [tilespmem:s6+$0x640];
	[tilespmem:s1+$0x8A70] =	vst v30  }
0x14c: {  	v44 =	vmov v17;
	v6 =	vmul.f32 v14, v14;
	v24 =	vmul.f32 v16, v9;
	v47 =	vld [tilespmem:s6+$0x650];
	[tilespmem:s1+$0x8E00] =	vst v31  }
0x14d: {  	p1 =	sne.s32 s15, $0x7E00;
	v17 =	vmovc v22;
	v13 =	vmov v48;
	v14 =	vmul.f32 v22, v22;
	v22 =	vmul.f32 v55, v55;
	v48 =	vld [tilespmem:s6+$0x660];
	[tilespmem:s1+$0x8E10] =	vst v32  }
.Ltmp0:
0x14e: {  	v19 =	vmul.f32 v38, v38;
	v27 =	vmul.f32 v16, v24;
	v51 =	vld [tilespmem:s6+$0x670];
	[tilespmem:s1+$0x8E20] =	vst v33;
	(pc) =	sbr.rel @p1 .LBB2_2-.Ltmp0, $4  }
0x14f: {  	v30 =	vmul.f32 v60, v60;
	v24 =	vmul.f32 v56, v56;
	[tilespmem:s1+$0x8E30] =	vst v34  }
0x150: {  	v28 =	vmul.f32 v0, v0;
	v29 =	vmul.f32 v61, v61;
	v49 =	vld [tilespmem:s6+$0xA50];
	[tilespmem:s1+$0x8E40] =	vst v35;
	v35 =	vmovc v42;
	v31 =	vsub.f32 $1.500000000e+00, v27  }
0x151: {  	v42 =	vmovc v44;
	v44 =	vmov v46;
	v27 =	vmul.f32 v62, v62;
	v32 =	vmul.f32 v63, v63;
	v50 =	vld [tilespmem:s6+$0xA60];
	[tilespmem:s1+$0x8E50] =	vst v39  }
0x152: {  	s15 =	sadd.s32 $0x200, s15;
	v39 =	vmovc v41;
	v41 =	vmovc v43;
	v43 =	vmov v45;
	v16 =	vmul.f32 v16, v31;
	v31 =	vmul.f32 v47, v47  }
0x153: {  	v11 =	vadd.f32 v30, v11  }
0x154: {  	v20 =	vadd.f32 v27, v20;
	v22 =	vadd.f32 v28, v22;
	v45 =	vmul.f32 v48, v48  }
0x155: {  	v21 =	vadd.f32 v29, v21;
	v46 =	vmul.f32 v51, v51;
	v23 =	vadd.f32 v32, v23  }
0x156: {  	v24 =	vadd.f32 v31, v24;
	v25 =	vadd.f32 v45, v25  }
0x157: {  	v29 =	vld [tilespmem:s6+$0xA70];
	v26 =	vadd.f32 v46, v26;
	v10 =	vadd.f32 v10, v11  }
0x158: {  	v27 =	vld [tilespmem:s6+$0xE60];
	v33 =	vadd.f32 v14, v20;
	v12 =	vadd.f32 v12, v22;
	v34 =	vmul.f32 v49, v49  }
0x159: {  	v22 =	vld [tilespmem:s6+$0xE70];
	v18 =	vadd.f32 v18, v21;
	v19 =	vadd.f32 v19, v23  }
0x15a: {  	v32 =	vmul.f32 v16, v9;
	v14 =	vadd.f32 v34, v24;
	v3 =	vadd.f32 v3, v10  }
0x15b: {  	v45 =	vmul.f32 v50, v50;
	v5 =	vadd.f32 v5, v12;
	v6 =	vadd.f32 v6, v18  }
0x15c: {  	v4 =	vadd.f32 v4, v33;
	v7 =	vadd.f32 v7, v19;
	v46 =	vmul.f32 v29, v29  }
0x15d: {  	v20 =	vadd.f32 v45, v25;
	v28 =	vmul.f32 v27, v27;
	v31 =	vadd.f32 v6, v5  }
0x15e: {  	v5 =	vmul.f32 v32, v16;
	v21 =	vadd.f32 v46, v26;
	v30 =	vmul.f32 v22, v22  }
0x15f: {  	v8 =	vadd.f32 v8, v14;
	v10 =	vadd.f32 v28, v20  }
0x160: {  	v5 =	vsub.f32 $1.500000000e+00, v5;
	v11 =	vadd.f32 v30, v21  }
0x161: {  	v3 =	vadd.f32 v4, v3  }
0x162: {  	v33 =	vadd.f32 v8, v7;
	v46 =	vmul.f32 v5, v16;
	v34 =	vadd.f32 v11, v10  }
0x163: {  	v8 =	vld [tilespmem:$0x1FF60]  }
0x164: {  	v3 =	vadd.f32 v31, v3;
	v1 =	vmul.f32 v46, v1;
	v45 =	vadd.f32 v34, v33;
	_ =	sdelay $0x1  }
0x165: {  	vm2 =	vgt.f32 v1, $9.999999970e-07;
	v3 =	vadd.f32 v45, v3  }
0x166: {  	v1 =	vnsel vm2, $0x49742400, v46  }
0x167: {  	(xrf2) =	vadd.scan.msk.f32 $0xffff, v3;
	v3 =	vmul.f32 v1, v8  }
0x168: {  	[tilespmem:s1+$0x8E60] =	vst v2  }
0x169: {  	[tilespmem:s5+$0x8E70] =	vst v3  }
0x16a: {  	v3 =	vld [tilespmem:$0x1FDF0];
	_ =	sdelay $0x3  }
0x16b: {  	v9 =	vmul.f32 v1, v44  }
0x16c: {  	v3 =	vmul.f32 v1, v3  }
0x16d: {  	[tilespmem:s5+$0x8200] =	vst v9  }
0x16e: {  	v2 =	vld [tilespmem:$0x1FE10];
	[tilespmem:s5+$0x8210] =	vst v3  }
0x16f: {  	v3 =	vld [tilespmem:$0x1FE40];
	_ =	sdelay $0x3  }
0x170: {  	v2 =	vmul.f32 v1, v2  }
0x171: {  	v3 =	vmul.f32 v1, v3  }
0x172: {  	v10 =	vld [tilespmem:$0x1FE60];
	[tilespmem:s5+$0x8220] =	vst v2  }
0x173: {  	[tilespmem:s5+$0x8230] =	vst v3  }
0x174: {  	v3 =	vld [tilespmem:$0x1FE80];
	_ =	sdelay $0x3  }
0x175: {  	v4 =	vmul.f32 v1, v10  }
0x176: {  	v3 =	vmul.f32 v1, v3  }
0x177: {  	[tilespmem:s5+$0x8240] =	vst v4  }
0x178: {  	v4 =	vld [tilespmem:$0x1FEA0];
	[tilespmem:s5+$0x8250] =	vst v3  }
0x179: {  	v3 =	vld [tilespmem:$0x1FEB0]  }
0x17a: {  	v12 =	vld [tilespmem:$0x1FE00];
	_ =	sdelay $0x2  }
0x17b: {  	v4 =	vmul.f32 v1, v4  }
0x17c: {  	v3 =	vmul.f32 v1, v3  }
0x17d: {  	[tilespmem:s5+$0x8260] =	vst v4;
	v5 =	vmul.f32 v1, v12  }
0x17e: {  	v4 =	vld [tilespmem:$0x1FE20];
	[tilespmem:s5+$0x8270] =	vst v3  }
0x17f: {  	[tilespmem:s5+$0x8600] =	vst v5  }
0x180: {  	v5 =	vld [tilespmem:$0x1FE30]  }
0x181: {  	v18 =	vld [tilespmem:$0x1FE50];
	_ =	sdelay $0x2  }
0x182: {  	v4 =	vmul.f32 v1, v4  }
0x183: {  	v5 =	vmul.f32 v1, v5  }
0x184: {  	[tilespmem:s5+$0x8610] =	vst v4;
	v7 =	vmul.f32 v1, v18  }
0x185: {  	[tilespmem:s5+$0x8620] =	vst v5  }
0x186: {  	v5 =	vld [tilespmem:$0x1FE70];
	[tilespmem:s5+$0x8630] =	vst v7  }
0x187: {  	v7 =	vld [tilespmem:$0x1FE90];
	_ =	sdelay $0x2  }
0x188: {  	v11, _, _ =	vpop (xrf2)  }
0x189: {  	v2 =	vadd.f32 $0.0e+00, v11;
	v5 =	vmul.f32 v1, v5  }
0x18a: {  	v7 =	vmul.f32 v1, v7  }
0x18b: {  	v2 =	vbroadcast v2, $0xF;
	[tilespmem:s5+$0x8640] =	vst v5  }
0x18c: {  	[tilespmem:s5+$0x8650] =	vst v7  }
0x18d: {  	v14 =	vshra.s32 v2, $0x1;
	v16 =	vmul.f32 $5.000000000e-01, v2;
	v7 =	vld [tilespmem:$0x1FEC0]  }
0x18e: {  	v3 =	vsub.s32 $0x5F3759DF, v14  }
0x18f: {  	v20 =	vmul.f32 v1, v13;
	v19 =	vmul.f32 v3, v16  }
0x190: {  	v21 =	vmul.f32 v1, v43  }
0x191: {  	v23 =	vmul.f32 v1, v42;
	v4 =	vmul.f32 v3, v19;
	[tilespmem:s5+$0x8660] =	vst v20  }
0x192: {  	[tilespmem:s5+$0x8A00] =	vst v21;
	v7 =	vmul.f32 v1, v7  }
0x193: {  	v4 =	vsub.f32 $1.500000000e+00, v4;
	[tilespmem:s5+$0x8A10] =	vst v23  }
0x194: {  	[tilespmem:s5+$0x8670] =	vst v7  }
0x195: {  	v3 =	vmul.f32 v3, v4;
	v4 =	vld [tilespmem:$0x1FED0];
	_ =	sdelay $0x1  }
0x196: {  	v24 =	vmul.f32 v1, v41;
	_ =	sdelay $0x1  }
0x197: {  	[tilespmem:s5+$0x8A20] =	vst v24  }
0x198: {  	v5 =	vld [tilespmem:$0x1FEE0];
	v4 =	vmul.f32 v1, v4;
	_ =	sdelay $0x1  }
0x199: {  	[tilespmem:s5+$0x8A30] =	vst v4  }
0x19a: {  	v4 =	vld [tilespmem:$0x1FEF0];
	_ =	sdelay $0x1  }
0x19b: {  	v5 =	vmul.f32 v1, v5;
	_ =	sdelay $0x1  }
0x19c: {  	[tilespmem:s5+$0x8A40] =	vst v5  }
0x19d: {  	v5 =	vld [tilespmem:$0x1FF00];
	v4 =	vmul.f32 v1, v4;
	_ =	sdelay $0x1  }
0x19e: {  	[tilespmem:s5+$0x8A50] =	vst v4  }
0x19f: {  	v4 =	vld [tilespmem:$0x1FF10];
	_ =	sdelay $0x1  }
0x1a0: {  	v5 =	vmul.f32 v1, v5  }
0x1a1: {  	v25 =	vmul.f32 v1, v39  }
0x1a2: {  	v26 =	vmul.f32 v1, v35;
	v6 =	vmul.f32 v3, v16;
	[tilespmem:s5+$0x8A60] =	vst v5  }
0x1a3: {  	[tilespmem:s5+$0x8E00] =	vst v25;
	v4 =	vmul.f32 v1, v4  }
0x1a4: {  	v6 =	vmul.f32 v6, v3;
	[tilespmem:s5+$0x8E10] =	vst v26  }
0x1a5: {  	v28 =	vmul.f32 v1, v40;
	[tilespmem:s5+$0x8A70] =	vst v4  }
0x1a6: {  	v6 =	vsub.f32 $1.500000000e+00, v6;
	v4 =	vld [tilespmem:$0x1FF20]  }
0x1a7: {  	[tilespmem:s5+$0x8E20] =	vst v28  }
0x1a8: {  	v3 =	vmul.f32 v6, v3;
	v5 =	vld [tilespmem:$0x1FF30];
	_ =	sdelay $0x1  }
0x1a9: {  	v2 =	vmul.f32 v3, v2  }
0x1aa: {  	v4 =	vmul.f32 v1, v4  }
0x1ab: {  	vm2 =	vgt.f32 v2, $9.999999970e-07  }
0x1ac: {  	v3 =	vnsel vm2, $0x49742400, v3;
	v5 =	vmul.f32 v1, v5;
	[tilespmem:s5+$0x8E30] =	vst v4  }
0x1ad: {  	v31 =	vmul.f32 v3, v22;
	v30 =	vld [tilespmem:$0x1FF40]  }
0x1ae: {  	v32 =	vmul.f32 v3, v53;
	v4 =	vld [tilespmem:$0x1FF50];
	[tilespmem:s5+$0x8E40] =	vst v5  }
0x1af: {  	v33 =	vmul.f32 v3, v52;
	[tilespmem:s6+$0x8E70] =	vst v31  }
0x1b0: {  	v34 =	vmul.f32 v3, v55;
	[tilespmem:s6+$0x8200] =	vst v32  }
0x1b1: {  	v35 =	vmul.f32 v3, v54;
	[tilespmem:s6+$0x8210] =	vst v33  }
0x1b2: {  	v39 =	vmul.f32 v3, v57;
	[tilespmem:s6+$0x8220] =	vst v34  }
0x1b3: {  	v40 =	vmul.f32 v3, v56;
	[tilespmem:s6+$0x8230] =	vst v35  }
0x1b4: {  	v41 =	vmul.f32 v3, v58;
	[tilespmem:s6+$0x8240] =	vst v39  }
0x1b5: {  	v42 =	vmul.f32 v3, v59;
	[tilespmem:s6+$0x8250] =	vst v40  }
0x1b6: {  	v43 =	vmul.f32 v3, v60;
	[tilespmem:s6+$0x8260] =	vst v41  }
0x1b7: {  	v44 =	vmul.f32 v3, v62;
	[tilespmem:s6+$0x8270] =	vst v42  }
0x1b8: {  	v0 =	vmul.f32 v3, v0;
	[tilespmem:s6+$0x8600] =	vst v43  }
0x1b9: {  	v45 =	vmul.f32 v3, v61;
	[tilespmem:s6+$0x8610] =	vst v44  }
0x1ba: {  	v46 =	vmul.f32 v3, v63;
	[tilespmem:s6+$0x8620] =	vst v0  }
0x1bb: {  	v52 =	vmul.f32 v3, v47;
	[tilespmem:s6+$0x8630] =	vst v45  }
0x1bc: {  	v53 =	vmul.f32 v3, v48;
	[tilespmem:s6+$0x8640] =	vst v46  }
0x1bd: {  	v54 =	vmul.f32 v3, v51;
	[tilespmem:s6+$0x8650] =	vst v52  }
0x1be: {  	v55 =	vmul.f32 v3, v15;
	[tilespmem:s6+$0x8660] =	vst v53  }
0x1bf: {  	v56 =	vmul.f32 v3, v17;
	[tilespmem:s6+$0x8670] =	vst v54  }
0x1c0: {  	v57 =	vmul.f32 v3, v36;
	[tilespmem:s6+$0x8A00] =	vst v55  }
0x1c1: {  	v58 =	vmul.f32 v3, v37;
	[tilespmem:s6+$0x8A10] =	vst v56  }
0x1c2: {  	v59 =	vmul.f32 v3, v38;
	[tilespmem:s6+$0x8A20] =	vst v57  }
0x1c3: {  	v60 =	vmul.f32 v3, v49;
	[tilespmem:s6+$0x8A30] =	vst v58  }
0x1c4: {  	v61 =	vmul.f32 v3, v50;
	[tilespmem:s6+$0x8A40] =	vst v59  }
0x1c5: {  	[tilespmem:s6+$0x8A50] =	vst v60;
	v2 =	vmul.f32 v1, v30  }
0x1c6: {  	[tilespmem:s6+$0x8A60] =	vst v61;
	v1 =	vmul.f32 v1, v4  }
0x1c7: {  	v62 =	vmul.f32 v3, v29;
	[tilespmem:s5+$0x8E50] =	vst v2  }
0x1c8: {  	[tilespmem:s5+$0x8E60] =	vst v1  }
0x1c9: {  	v0 =	vld [tilespmem:$0x1FF70];
	[tilespmem:s6+$0x8A70] =	vst v62  }
0x1ca: {  	v1 =	vld [tilespmem:$0x1FF80];
	_ =	sdelay $0x3  }
0x1cb: {  	v0 =	vmul.f32 v3, v0  }
0x1cc: {  	v1 =	vmul.f32 v3, v1  }
0x1cd: {  	[tilespmem:s6+$0x8E00] =	vst v0  }
0x1ce: {  	v0 =	vld [tilespmem:$0x1FF90];
	[tilespmem:s6+$0x8E10] =	vst v1  }
0x1cf: {  	v1 =	vld [tilespmem:$0x1FFA0];
	_ =	sdelay $0x3  }
0x1d0: {  	v0 =	vmul.f32 v3, v0  }
0x1d1: {  	v1 =	vmul.f32 v3, v1  }
0x1d2: {  	[tilespmem:s6+$0x8E20] =	vst v0  }
0x1d3: {  	v0 =	vld [tilespmem:$0x1FFB0];
	[tilespmem:s6+$0x8E30] =	vst v1  }
0x1d4: {  	v1 =	vld [tilespmem:$0x1FFC0];
	_ =	sdelay $0x2  }
0x1d5: {  	v63 =	vmul.f32 v3, v27  }
0x1d6: {  	v0 =	vmul.f32 v3, v0  }
0x1d7: {  	s4 =	sadd.s32 $0x1, s4;
	[tilespmem:s6+$0x8E60] =	vst v63;
	v1 =	vmul.f32 v3, v1  }
0x1d8: {  	p1 =	sne.s32 s4, s12;
	[tilespmem:s6+$0x8E40] =	vst v0  }
.Ltmp1:
0x1d9: {  	[tilespmem:s6+$0x8E50] =	vst v1;
	(pc) =	sbr.rel @p1 .LBB2_1-.Ltmp1, $4  }
0x1da: {  	[hbm4b:s11+s7] =	stream.linear.scatter [tilespmem:s31], [sflag:$0x2], $0x8000, $0x38;
	[tilespmem:$0x10200] =	vst v63  }
0x1db: {  	_ =	swait.ge [sflag:s13], $0x8000  }
0x1dc: {  	[sflag:s13] =	ssyncset.done $0x0  }
0x1dd: {  	[sflag:s13] =	ssyncadd.s32 $0xFFFF8000  }
0x1de: {  	_ =	sfence.sel $0x180000  }
0x1df: {  	[bflag:$0x0] =	sbarrier.arrive $0xFFFF  }
0x1e0: {  	_ =	strace $0x90000047  }
0x1e1: {  	[bflag:$0x2] =	sbarrier.arrive $0xFFFF  }
0x1e2: {  	p0 =	sne.s32 s0, $0x0;
	s0 =	rddreg [dreg:$0x6]  }
0x1e3: {  	s0 =	sadd.s32 @!p0 $0x100000, s0  }
0x1e4: {  	[sflag:s0] =	ssyncadd.tile.s32 @!p0 $0x1;
	_ =	shalt  }
.Lfunc_end2:
_tile_overlayer_lowered:
.L_overlay_start_2:
0x1e5: {  	(tag) =	ssettag $0x2  }
0x1e6: {  	s0 =	rddreg [dreg:$0x0];
	s2 =	stileid.u32  }
0x1e7: {  	s1 =	rddreg [dreg:$0x1];
	p0 =	sne.s32 s2, $0x0  }
0x1e8: {  	s3 =	rddreg [dreg:$0x2];
	[bflag:$0x3] =	sbarrier.arrive $0xFFFF;
	s2 =	simm.s32 @!p0 $0x1C02  }
0x1e9: {  	[timem:s3], [sflag:s2] =	dma.local @!p0 [hbm:s0], s1  }
0x1ea: {  	s0 =	simm.s32 @!p0 $0x2  }
0x1eb: {  	_ =	swait.ge @!p0 [sflag:s0], s1  }
0x1ec: {  	s1 =	ssub.s32 @!p0 $0x0, s1;
	[sflag:s0] =	ssyncset.done @!p0 $0x0  }
0x1ed: {  	[sflag:s0] =	ssyncadd.s32 @!p0 s1  }
0x1ee: {  	[bflag:$0x3] =	sbarrier.arrive $0xFFFF  }
0x1ef: {  	_ =	shalt  }

</sc_bundles>
